<compile_context>
chip_gen: v7x
topology: tpu7x:2x2x1
jax: 0.10.2.dev20260603
libtpu: 0.0.44.dev20260713+nightly
codegen_flags: <defaults>
</compile_context>

<pallas_src>
import functools

import jax
import jax.numpy as jnp
from jax import lax
from jax.experimental import pallas as pl
from jax.experimental.pallas import tpu as pltpu
from jax.experimental.pallas import tpu_sc as plsc

_C = 10
_TEMP_INV = 2.0
_THRESH = 0.95
_B = 16384
_N = 250
_L = 16
_LOG2_POLY = (-0.024828187138495852, 0.11791296074543423,
              -0.27236218052412914, 0.45386128557948213,
              -0.7169882608672636, 1.4423956505308886,
              5.05904567779743e-06)
_LN2 = 0.6931471805599453


def _splat(v, dtype=jnp.float32):
    return jnp.full((_L,), v, dtype=dtype)


def _ln(z):
    zi = lax.bitcast_convert_type(z, jnp.int32)
    ex = lax.shift_right_logical(zi, 23) - 127
    mant = lax.bitcast_convert_type(
        jnp.bitwise_or(jnp.bitwise_and(zi, 0x7FFFFF), 0x3F800000),
        jnp.float32)
    x = mant - 1.0
    p = _splat(_LOG2_POLY[0])
    for c in _LOG2_POLY[1:]:
        p = p * x + c
    return (ex.astype(jnp.float32) + p) * _LN2


def _sc_body(ls_hbm, lw_hbm, yt_hbm, yta_hbm, yh_hbm, t_hbm, out_hbm,
             ls_v, lw_v, yt_v, yta_v, yh_v, t_v, yy_v, w_v, hist_v, acc_v):
    C = _C
    info = plsc.get_sparse_core_info()
    nw = info.num_cores * info.num_subcores
    per_w = _B // nw
    wid = lax.axis_index("s") * info.num_cores + lax.axis_index("c")
    base = wid * per_w

    pltpu.sync_copy(ls_hbm.at[pl.ds(base * C, per_w * C)], ls_v)
    pltpu.sync_copy(lw_hbm.at[pl.ds(base * C, per_w * C)], lw_v)
    pltpu.sync_copy(yt_hbm.at[pl.ds(base, per_w)], yt_v)
    pltpu.sync_copy(yta_hbm, yta_v)
    pltpu.sync_copy(yh_hbm, yh_v)
    pltpu.sync_copy(t_hbm, t_v)

    iota = lax.iota(jnp.int32, _L)
    ones = _splat(1.0)
    zeros = _splat(0.0)

    for k in range(C):
        yy_v[pl.ds(k * _L, _L)] = zeros
    hist_v[pl.ds(0, _L)] = zeros
    hist_v[pl.ds(_L, _L)] = zeros
    n_groups = (_N + _L - 1) // _L
    for g in range(n_groups):
        rows = iota + (g * _L)
        valid = rows < _N
        yta = plsc.load_gather(yta_v, [rows], mask=valid)
        yh = plsc.load_gather(yh_v, [rows], mask=valid)
        plsc.addupdate_scatter(yy_v, [yta * _L + yh], ones, mask=valid)
        plsc.addupdate_scatter(hist_v, [yta], ones, mask=valid)
        plsc.addupdate_scatter(hist_v, [yh + _L], ones, mask=valid)

    y_dist = hist_v[pl.ds(0, _L)] * (1.0 / _N)
    lane_lt_c = iota < C
    colsum = zeros
    for k in range(C):
        last = plsc.load_gather(yy_v, [_splat(k * _L + C, jnp.int32)])
        corr = yy_v[pl.ds(k * _L, _L)] + last * y_dist
        yy_v[pl.ds(k * _L, _L)] = corr
        colsum = colsum + corr
    for k in range(C):
        t_col = plsc.load_gather(t_v, [iota * C + k], mask=lane_lt_c)
        denom = jnp.where(lane_lt_c, yy_v[pl.ds(k * _L, _L)], ones)
        w_v[pl.ds(k * _L, _L)] = t_col * colsum / denom
    counts = hist_v[pl.ds(_L, _L)]
    bmax = lax.reduce_max(counts, axes=(0,))
    beta = counts / bmax
    beta = beta / (2.0 - beta)
    hist_v[pl.ds(_L, _L)] = beta * _THRESH

    def group(g, acc):
        rows = iota + g * _L
        rows10 = rows * C
        yt16 = plsc.load_gather(yt_v, [rows])
        yt16_l = yt16 * _L
        s = zeros
        z = zeros
        m = _splat(-3.4e38)
        t = _splat(0, jnp.int32)
        for c in range(C):
            lw_c = plsc.load_gather(lw_v, [rows10 + c])
            w_c = plsc.load_gather(w_v, [yt16_l + c])
            e_c = jnp.exp(lw_c * _TEMP_INV) * w_c
            s = s + e_c
            gt = e_c > m
            m = jnp.where(gt, e_c, m)
            t = jnp.where(gt, _splat(c, jnp.int32), t)
            ls_c = plsc.load_gather(ls_v, [rows10 + c])
            z = z + jnp.exp(ls_c)
        picked = plsc.load_gather(ls_v, [rows10 + t])
        ce = _ln(z) - picked
        thr = plsc.load_gather(hist_v, [t + _L])
        keep = m > thr * s
        return acc + jnp.where(keep, ce, 0.0)

    acc = lax.fori_loop(0, per_w // _L, group, zeros)
    acc_v[...] = acc * (1.0 / _B)
    pltpu.sync_copy(acc_v, out_hbm.at[wid])


@functools.partial(jax.jit, static_argnames=())
def kernel(logits_s, logits_w, y_tilde, i, y_tilde_all, y_hat, T):
    del i
    f32 = jnp.float32
    info = plsc.get_sparse_core_info()
    nw = info.num_cores * info.num_subcores
    per_w = _B // nw
    mesh = plsc.VectorSubcoreMesh(core_axis_name="c", subcore_axis_name="s")
    k = functools.partial(
        pl.kernel,
        mesh=mesh,
        compiler_params=pltpu.CompilerParams(needs_layout_passes=False),
        out_type=jax.ShapeDtypeStruct((nw, _L), f32),
        scratch_types=[
            pltpu.VMEM((per_w * _C,), f32),
            pltpu.VMEM((per_w * _C,), f32),
            pltpu.VMEM((per_w,), jnp.int32),
            pltpu.VMEM((_N,), jnp.int32),
            pltpu.VMEM((_N,), jnp.int32),
            pltpu.VMEM((_C * _C,), f32),
            pltpu.VMEM((_C * _L,), f32),
            pltpu.VMEM((_C * _L,), f32),
            pltpu.VMEM((2 * _L,), f32),
            pltpu.VMEM((_L,), f32),
        ],
    )(_sc_body)
    out = k(jnp.reshape(logits_s.astype(f32), (-1,)),
            jnp.reshape(logits_w.astype(f32), (-1,)),
            y_tilde.astype(jnp.int32), y_tilde_all.astype(jnp.int32),
            y_hat.astype(jnp.int32), jnp.reshape(T.astype(f32), (-1,)))
    return jnp.sum(out)

# --- scband reference (transcript-rebuilt; emitter-appended) ---
"""Pipeline reference for scband-noisy-flex-match-cross-entropy-16836271800413 (READ-ONLY COPY).

The authoritative reference and input builder live on the scoring server;
editing this copy changes nothing except your own understanding.
"""

import jax, jax.numpy as jnp
import numpy as np

NUM_CLASSES = 10
NUM_SAMPLES = 250
BATCH = 16384
TEMPERATURE = 0.5
THRESHOLD = 0.95


def setup_inputs(seed: int = 0):
    key = jax.random.key(seed)
    k1, k2, k3, k4 = jax.random.split(key, 4)
    logits_s = jax.random.normal(k1, (BATCH, NUM_CLASSES), dtype=jnp.float32)
    logits_w = jax.random.normal(k2, (BATCH, NUM_CLASSES), dtype=jnp.float32)
    y_tilde = jax.random.randint(k3, (BATCH,), 0, NUM_CLASSES)
    i = jax.random.randint(k4, (BATCH,), 0, NUM_SAMPLES)
    # buffers from __init__: noisy labels of whole dataset, running pseudo-labels, transition matrix
    y_tilde_all = jnp.arange(NUM_SAMPLES, dtype=jnp.int32) % NUM_CLASSES
    y_hat = jnp.full((NUM_SAMPLES,), NUM_CLASSES, dtype=jnp.int32)
    T = jnp.eye(NUM_CLASSES, dtype=jnp.float32) * 0.80 + 0.02
    return {'logits_s': logits_s, 'logits_w': logits_w, 'y_tilde': y_tilde, 'i': i,
            'y_tilde_all': y_tilde_all, 'y_hat': y_hat, 'T': T}


def reference(logits_s, logits_w, y_tilde, i, y_tilde_all, y_hat, T):
    C = NUM_CLASSES
    N = NUM_SAMPLES
    # yy = zeros(C, C+1); index_put_((ỹ, ŷ), ones(N), accumulate=True)
    yy = jnp.zeros((C, C + 1), dtype=jnp.float32).at[y_tilde_all, y_hat].add(1.0)
    y_dist = jnp.bincount(y_tilde_all, length=C).astype(jnp.float32) / N
    yy = yy[:, :-1] + yy[:, -1:] * y_dist
    yy = yy / yy.sum(axis=0)
    probs = jax.nn.softmax(logits_w / TEMPERATURE, axis=-1)
    probs = probs * T[:, y_tilde].T / yy[y_tilde]
    probs = probs / probs.sum(axis=-1, keepdims=True)
    max_probs = probs.max(axis=-1)
    targets = probs.argmax(axis=-1)
    beta = jnp.bincount(y_hat, length=C + 1).astype(jnp.float32)
    beta = beta / beta.max()
    beta = beta / (2.0 - beta)
    masks = max_probs > THRESHOLD * beta[targets]
    y_pred = jnp.where(max_probs > THRESHOLD, targets, -1)
    # functional version of the buffer scatter update: self.ŷ[i[ŷ!=-1]] = ŷ[ŷ!=-1]
    pad = jnp.concatenate([y_hat, jnp.zeros((1,), dtype=y_hat.dtype)])
    idx = jnp.where(y_pred != -1, i, N)
    pad = pad.at[idx].set(jnp.where(y_pred != -1, y_pred, 0).astype(y_hat.dtype))
    y_hat_new = pad[:N]  # state update; torch stores this in a buffer
    # cross_entropy(logits_s, targets, reduction='none') * masks
    logZ = jax.nn.logsumexp(logits_s, axis=-1)
    ce = logZ - jnp.take_along_axis(logits_s, targets[:, None], axis=-1)[:, 0]
    loss = (ce * masks.astype(jnp.float32)).mean()
    return loss

if __name__ == "__main__":
    import jax
    _d = setup_inputs()
    print(jax.jit(kernel)(*tuple(_d.values())))

</pallas_src>

<mosaic_0001>
#map = affine_map<(d0, d1) -> (0)>
#map1 = affine_map<(d0, d1) -> (0, 0)>
module attributes {stable_mosaic.version = 14 : i64} {
  func.func @_sc_body(%arg0: i32, %arg1: i32, %arg2: memref<163840xf32, #tpu.memory_space<hbm>>, %arg3: memref<163840xf32, #tpu.memory_space<hbm>>, %arg4: memref<16384xi32, #tpu.memory_space<hbm>>, %arg5: memref<250xi32, #tpu.memory_space<hbm>>, %arg6: memref<250xi32, #tpu.memory_space<hbm>>, %arg7: memref<100xf32, #tpu.memory_space<hbm>>, %arg8: memref<32x16xf32, #tpu.memory_space<hbm>>, %arg9: memref<5120xf32, #tpu.memory_space<vmem>>, %arg10: memref<5120xf32, #tpu.memory_space<vmem>>, %arg11: memref<512xi32, #tpu.memory_space<vmem>>, %arg12: memref<250xi32, #tpu.memory_space<vmem>>, %arg13: memref<250xi32, #tpu.memory_space<vmem>>, %arg14: memref<100xf32, #tpu.memory_space<vmem>>, %arg15: memref<160xf32, #tpu.memory_space<vmem>>, %arg16: memref<160xf32, #tpu.memory_space<vmem>>, %arg17: memref<32xf32, #tpu.memory_space<vmem>>, %arg18: memref<16xf32, #tpu.memory_space<vmem>>) attributes {dimension_semantics = [#tpu.dimension_semantics<core_parallel>, #tpu.dimension_semantics<subcore_parallel>], iteration_bounds = array<i64: 2, 16>, scalar_prefetch = 0 : i64, scratch_operands = 10 : i64, tpu.core_type = #tpu.core_type<sc_vector_subcore>, window_params = [{transform_indices = #map}, {transform_indices = #map}, {transform_indices = #map}, {transform_indices = #map}, {transform_indices = #map}, {transform_indices = #map}, {transform_indices = #map1}]} {
    %mul3A = arith.constant 2 : i32
    %mul3A_0 = arith.muli %arg1, %mul3A : i32
    %add3A = arith.addi %mul3A_0, %arg0 : i32
    %mul3A_1 = arith.constant 512 : i32
    %mul3A_2 = arith.muli %add3A, %mul3A_1 : i32
    %mul3A_3 = arith.constant 10 : i32
    %mul3A_4 = arith.muli %mul3A_2, %mul3A_3 : i32
    "tpu.region"() ({
      %run_scoped3A = tpu.sem_alloc : memref<!tpu.dma_semaphore, #tpu.memory_space<semaphore_mem>>
      %dma_start3A = tpu.memref_slice %arg2[%mul3A_4] : memref<163840xf32, #tpu.memory_space<hbm>> -> memref<5120xf32, #tpu.memory_space<hbm>>
      %dma_start3A_541 = tpu.memref_slice %arg2[%mul3A_4] : memref<163840xf32, #tpu.memory_space<hbm>> -> memref<5120xf32, #tpu.memory_space<hbm>>
      tpu.enqueue_dma source(%dma_start3A_541 : memref<5120xf32, #tpu.memory_space<hbm>>) target(%arg9 : memref<5120xf32, #tpu.memory_space<vmem>>) target_semaphore(%run_scoped3A : memref<!tpu.dma_semaphore, #tpu.memory_space<semaphore_mem>>)
      %dma_wait3A = tpu.memref_slice %arg2[%mul3A_4] : memref<163840xf32, #tpu.memory_space<hbm>> -> memref<5120xf32, #tpu.memory_space<hbm>>
      %dma_wait3A_542 = tpu.memref_slice %arg2[%mul3A_4] : memref<163840xf32, #tpu.memory_space<hbm>> -> memref<5120xf32, #tpu.memory_space<hbm>>
      tpu.wait_dma2 semaphore(%run_scoped3A : memref<!tpu.dma_semaphore, #tpu.memory_space<semaphore_mem>>) src(%dma_wait3A_542 : memref<5120xf32, #tpu.memory_space<hbm>>) dst(%arg9 : memref<5120xf32, #tpu.memory_space<vmem>>)
      tpu.yield
    }) : () -> ()
    %mul3A_5 = arith.constant 10 : i32
    %mul3A_6 = arith.muli %mul3A_2, %mul3A_5 : i32
    "tpu.region"() ({
      %run_scoped3A = tpu.sem_alloc : memref<!tpu.dma_semaphore, #tpu.memory_space<semaphore_mem>>
      %dma_start3A = tpu.memref_slice %arg3[%mul3A_6] : memref<163840xf32, #tpu.memory_space<hbm>> -> memref<5120xf32, #tpu.memory_space<hbm>>
      %dma_start3A_541 = tpu.memref_slice %arg3[%mul3A_6] : memref<163840xf32, #tpu.memory_space<hbm>> -> memref<5120xf32, #tpu.memory_space<hbm>>
      tpu.enqueue_dma source(%dma_start3A_541 : memref<5120xf32, #tpu.memory_space<hbm>>) target(%arg10 : memref<5120xf32, #tpu.memory_space<vmem>>) target_semaphore(%run_scoped3A : memref<!tpu.dma_semaphore, #tpu.memory_space<semaphore_mem>>)
      %dma_wait3A = tpu.memref_slice %arg3[%mul3A_6] : memref<163840xf32, #tpu.memory_space<hbm>> -> memref<5120xf32, #tpu.memory_space<hbm>>
      %dma_wait3A_542 = tpu.memref_slice %arg3[%mul3A_6] : memref<163840xf32, #tpu.memory_space<hbm>> -> memref<5120xf32, #tpu.memory_space<hbm>>
      tpu.wait_dma2 semaphore(%run_scoped3A : memref<!tpu.dma_semaphore, #tpu.memory_space<semaphore_mem>>) src(%dma_wait3A_542 : memref<5120xf32, #tpu.memory_space<hbm>>) dst(%arg10 : memref<5120xf32, #tpu.memory_space<vmem>>)
      tpu.yield
    }) : () -> ()
    "tpu.region"() ({
      %run_scoped3A = tpu.sem_alloc : memref<!tpu.dma_semaphore, #tpu.memory_space<semaphore_mem>>
      %dma_start3A = tpu.memref_slice %arg4[%mul3A_2] : memref<16384xi32, #tpu.memory_space<hbm>> -> memref<512xi32, #tpu.memory_space<hbm>>
      %dma_start3A_541 = tpu.memref_slice %arg4[%mul3A_2] : memref<16384xi32, #tpu.memory_space<hbm>> -> memref<512xi32, #tpu.memory_space<hbm>>
      tpu.enqueue_dma source(%dma_start3A_541 : memref<512xi32, #tpu.memory_space<hbm>>) target(%arg11 : memref<512xi32, #tpu.memory_space<vmem>>) target_semaphore(%run_scoped3A : memref<!tpu.dma_semaphore, #tpu.memory_space<semaphore_mem>>)
      %dma_wait3A = tpu.memref_slice %arg4[%mul3A_2] : memref<16384xi32, #tpu.memory_space<hbm>> -> memref<512xi32, #tpu.memory_space<hbm>>
      %dma_wait3A_542 = tpu.memref_slice %arg4[%mul3A_2] : memref<16384xi32, #tpu.memory_space<hbm>> -> memref<512xi32, #tpu.memory_space<hbm>>
      tpu.wait_dma2 semaphore(%run_scoped3A : memref<!tpu.dma_semaphore, #tpu.memory_space<semaphore_mem>>) src(%dma_wait3A_542 : memref<512xi32, #tpu.memory_space<hbm>>) dst(%arg11 : memref<512xi32, #tpu.memory_space<vmem>>)
      tpu.yield
    }) : () -> ()
    "tpu.region"() ({
      %run_scoped3A = tpu.sem_alloc : memref<!tpu.dma_semaphore, #tpu.memory_space<semaphore_mem>>
      tpu.enqueue_dma source(%arg5 : memref<250xi32, #tpu.memory_space<hbm>>) target(%arg12 : memref<250xi32, #tpu.memory_space<vmem>>) target_semaphore(%run_scoped3A : memref<!tpu.dma_semaphore, #tpu.memory_space<semaphore_mem>>)
      tpu.wait_dma2 semaphore(%run_scoped3A : memref<!tpu.dma_semaphore, #tpu.memory_space<semaphore_mem>>) src(%arg5 : memref<250xi32, #tpu.memory_space<hbm>>) dst(%arg12 : memref<250xi32, #tpu.memory_space<vmem>>)
      tpu.yield
    }) : () -> ()
    "tpu.region"() ({
      %run_scoped3A = tpu.sem_alloc : memref<!tpu.dma_semaphore, #tpu.memory_space<semaphore_mem>>
      tpu.enqueue_dma source(%arg6 : memref<250xi32, #tpu.memory_space<hbm>>) target(%arg13 : memref<250xi32, #tpu.memory_space<vmem>>) target_semaphore(%run_scoped3A : memref<!tpu.dma_semaphore, #tpu.memory_space<semaphore_mem>>)
      tpu.wait_dma2 semaphore(%run_scoped3A : memref<!tpu.dma_semaphore, #tpu.memory_space<semaphore_mem>>) src(%arg6 : memref<250xi32, #tpu.memory_space<hbm>>) dst(%arg13 : memref<250xi32, #tpu.memory_space<vmem>>)
      tpu.yield
    }) : () -> ()
    "tpu.region"() ({
      %run_scoped3A = tpu.sem_alloc : memref<!tpu.dma_semaphore, #tpu.memory_space<semaphore_mem>>
      tpu.enqueue_dma source(%arg7 : memref<100xf32, #tpu.memory_space<hbm>>) target(%arg14 : memref<100xf32, #tpu.memory_space<vmem>>) target_semaphore(%run_scoped3A : memref<!tpu.dma_semaphore, #tpu.memory_space<semaphore_mem>>)
      tpu.wait_dma2 semaphore(%run_scoped3A : memref<!tpu.dma_semaphore, #tpu.memory_space<semaphore_mem>>) src(%arg7 : memref<100xf32, #tpu.memory_space<hbm>>) dst(%arg14 : memref<100xf32, #tpu.memory_space<vmem>>)
      tpu.yield
    }) : () -> ()
    %iota3A = tpu.iota {dimensions = array<i32: 0>} : vector<16xi32>
    %broadcast_in_dim3A = arith.constant 1.000000e+00 : f32
    %broadcast_in_dim3A_7 = vector.broadcast %broadcast_in_dim3A : f32 to vector<16xf32>
    %broadcast_in_dim3A_8 = arith.constant 0.000000e+00 : f32
    %broadcast_in_dim3A_9 = vector.broadcast %broadcast_in_dim3A_8 : f32 to vector<16xf32>
    %swap3A = arith.constant 0 : index
    %swap3A_10 = tpu.vector_load %arg15[%swap3A] {strides = array<i32>} : memref<160xf32, #tpu.memory_space<vmem>>, vector<16xf32>,
    tpu.vector_store %arg15[%swap3A], %broadcast_in_dim3A_9 {strides = array<i32>} : memref<160xf32, #tpu.memory_space<vmem>>, vector<16xf32>,
    %swap3A_11 = arith.constant 16 : index
    %swap3A_12 = tpu.vector_load %arg15[%swap3A_11] {strides = array<i32>} : memref<160xf32, #tpu.memory_space<vmem>>, vector<16xf32>,
    tpu.vector_store %arg15[%swap3A_11], %broadcast_in_dim3A_9 {strides = array<i32>} : memref<160xf32, #tpu.memory_space<vmem>>, vector<16xf32>,
    %swap3A_13 = arith.constant 32 : index
    %swap3A_14 = tpu.vector_load %arg15[%swap3A_13] {strides = array<i32>} : memref<160xf32, #tpu.memory_space<vmem>>, vector<16xf32>,
    tpu.vector_store %arg15[%swap3A_13], %broadcast_in_dim3A_9 {strides = array<i32>} : memref<160xf32, #tpu.memory_space<vmem>>, vector<16xf32>,
    %swap3A_15 = arith.constant 48 : index
    %swap3A_16 = tpu.vector_load %arg15[%swap3A_15] {strides = array<i32>} : memref<160xf32, #tpu.memory_space<vmem>>, vector<16xf32>,
    tpu.vector_store %arg15[%swap3A_15], %broadcast_in_dim3A_9 {strides = array<i32>} : memref<160xf32, #tpu.memory_space<vmem>>, vector<16xf32>,
    %swap3A_17 = arith.constant 64 : index
    %swap3A_18 = tpu.vector_load %arg15[%swap3A_17] {strides = array<i32>} : memref<160xf32, #tpu.memory_space<vmem>>, vector<16xf32>,
    tpu.vector_store %arg15[%swap3A_17], %broadcast_in_dim3A_9 {strides = array<i32>} : memref<160xf32, #tpu.memory_space<vmem>>, vector<16xf32>,
    %swap3A_19 = arith.constant 80 : index
    %swap3A_20 = tpu.vector_load %arg15[%swap3A_19] {strides = array<i32>} : memref<160xf32, #tpu.memory_space<vmem>>, vector<16xf32>,
    tpu.vector_store %arg15[%swap3A_19], %broadcast_in_dim3A_9 {strides = array<i32>} : memref<160xf32, #tpu.memory_space<vmem>>, vector<16xf32>,
    %swap3A_21 = arith.constant 96 : index
    %swap3A_22 = tpu.vector_load %arg15[%swap3A_21] {strides = array<i32>} : memref<160xf32, #tpu.memory_space<vmem>>, vector<16xf32>,
    tpu.vector_store %arg15[%swap3A_21], %broadcast_in_dim3A_9 {strides = array<i32>} : memref<160xf32, #tpu.memory_space<vmem>>, vector<16xf32>,
    %swap3A_23 = arith.constant 112 : index
    %swap3A_24 = tpu.vector_load %arg15[%swap3A_23] {strides = array<i32>} : memref<160xf32, #tpu.memory_space<vmem>>, vector<16xf32>,
    tpu.vector_store %arg15[%swap3A_23], %broadcast_in_dim3A_9 {strides = array<i32>} : memref<160xf32, #tpu.memory_space<vmem>>, vector<16xf32>,
    %swap3A_25 = arith.constant 128 : index
    %swap3A_26 = tpu.vector_load %arg15[%swap3A_25] {strides = array<i32>} : memref<160xf32, #tpu.memory_space<vmem>>, vector<16xf32>,
    tpu.vector_store %arg15[%swap3A_25], %broadcast_in_dim3A_9 {strides = array<i32>} : memref<160xf32, #tpu.memory_space<vmem>>, vector<16xf32>,
    %swap3A_27 = arith.constant 144 : index
    %swap3A_28 = tpu.vector_load %arg15[%swap3A_27] {strides = array<i32>} : memref<160xf32, #tpu.memory_space<vmem>>, vector<16xf32>,
    tpu.vector_store %arg15[%swap3A_27], %broadcast_in_dim3A_9 {strides = array<i32>} : memref<160xf32, #tpu.memory_space<vmem>>, vector<16xf32>,
    %swap3A_29 = arith.constant 0 : index
    %swap3A_30 = tpu.vector_load %arg17[%swap3A_29] {strides = array<i32>} : memref<32xf32, #tpu.memory_space<vmem>>, vector<16xf32>,
    tpu.vector_store %arg17[%swap3A_29], %broadcast_in_dim3A_9 {strides = array<i32>} : memref<32xf32, #tpu.memory_space<vmem>>, vector<16xf32>,
    %swap3A_31 = arith.constant 16 : index
    %swap3A_32 = tpu.vector_load %arg17[%swap3A_31] {strides = array<i32>} : memref<32xf32, #tpu.memory_space<vmem>>, vector<16xf32>,
    tpu.vector_store %arg17[%swap3A_31], %broadcast_in_dim3A_9 {strides = array<i32>} : memref<32xf32, #tpu.memory_space<vmem>>, vector<16xf32>,
    %add3A_33 = arith.constant 0 : i32
    %add3A_34 = vector.broadcast %add3A_33 : i32 to vector<16xi32>
    %add3A_35 = arith.addi %iota3A, %add3A_34 : vector<16xi32>
    %lt3A = arith.constant 250 : i32
    %lt3A_36 = vector.broadcast %lt3A : i32 to vector<16xi32>
    %lt3A_37 = arith.cmpi slt, %add3A_35, %lt3A_36 : vector<16xi32>
    %gather3A = tpu.vector_load_idx %arg12[%add3A_35] masked %lt3A_37 : memref<250xi32, #tpu.memory_space<vmem>>[vector<16xi32>], vector<16xi32>, vector<16xi1>
    %gather3A_38 = tpu.vector_load_idx %arg13[%add3A_35] masked %lt3A_37 : memref<250xi32, #tpu.memory_space<vmem>>[vector<16xi32>], vector<16xi32>, vector<16xi1>
    %mul3A_39 = arith.constant 16 : i32
    %mul3A_40 = vector.broadcast %mul3A_39 : i32 to vector<16xi32>
    %mul3A_41 = arith.muli %gather3A, %mul3A_40 : vector<16xi32>
    %add3A_42 = arith.addi %mul3A_41, %gather3A_38 : vector<16xi32>
    tpu.vector_store_idx %arg15[%add3A_42], %broadcast_in_dim3A_7 masked %lt3A_37 {add = true} : memref<160xf32, #tpu.memory_space<vmem>>[vector<16xi32>], vector<16xf32>, vector<16xi1>
    tpu.vector_store_idx %arg17[%gather3A], %broadcast_in_dim3A_7 masked %lt3A_37 {add = true} : memref<32xf32, #tpu.memory_space<vmem>>[vector<16xi32>], vector<16xf32>, vector<16xi1>
    %add3A_43 = arith.constant 16 : i32
    %add3A_44 = vector.broadcast %add3A_43 : i32 to vector<16xi32>
    %add3A_45 = arith.addi %gather3A_38, %add3A_44 : vector<16xi32>
    tpu.vector_store_idx %arg17[%add3A_45], %broadcast_in_dim3A_7 masked %lt3A_37 {add = true} : memref<32xf32, #tpu.memory_space<vmem>>[vector<16xi32>], vector<16xf32>, vector<16xi1>
    %add3A_46 = arith.constant 16 : i32
    %add3A_47 = vector.broadcast %add3A_46 : i32 to vector<16xi32>
    %add3A_48 = arith.addi %iota3A, %add3A_47 : vector<16xi32>
    %lt3A_49 = arith.constant 250 : i32
    %lt3A_50 = vector.broadcast %lt3A_49 : i32 to vector<16xi32>
    %lt3A_51 = arith.cmpi slt, %add3A_48, %lt3A_50 : vector<16xi32>
    %gather3A_52 = tpu.vector_load_idx %arg12[%add3A_48] masked %lt3A_51 : memref<250xi32, #tpu.memory_space<vmem>>[vector<16xi32>], vector<16xi32>, vector<16xi1>
    %gather3A_53 = tpu.vector_load_idx %arg13[%add3A_48] masked %lt3A_51 : memref<250xi32, #tpu.memory_space<vmem>>[vector<16xi32>], vector<16xi32>, vector<16xi1>
    %mul3A_54 = arith.constant 16 : i32
    %mul3A_55 = vector.broadcast %mul3A_54 : i32 to vector<16xi32>
    %mul3A_56 = arith.muli %gather3A_52, %mul3A_55 : vector<16xi32>
    %add3A_57 = arith.addi %mul3A_56, %gather3A_53 : vector<16xi32>
    tpu.vector_store_idx %arg15[%add3A_57], %broadcast_in_dim3A_7 masked %lt3A_51 {add = true} : memref<160xf32, #tpu.memory_space<vmem>>[vector<16xi32>], vector<16xf32>, vector<16xi1>
    tpu.vector_store_idx %arg17[%gather3A_52], %broadcast_in_dim3A_7 masked %lt3A_51 {add = true} : memref<32xf32, #tpu.memory_space<vmem>>[vector<16xi32>], vector<16xf32>, vector<16xi1>
    %add3A_58 = arith.constant 16 : i32
    %add3A_59 = vector.broadcast %add3A_58 : i32 to vector<16xi32>
    %add3A_60 = arith.addi %gather3A_53, %add3A_59 : vector<16xi32>
    tpu.vector_store_idx %arg17[%add3A_60], %broadcast_in_dim3A_7 masked %lt3A_51 {add = true} : memref<32xf32, #tpu.memory_space<vmem>>[vector<16xi32>], vector<16xf32>, vector<16xi1>
    %add3A_61 = arith.constant 32 : i32
    %add3A_62 = vector.broadcast %add3A_61 : i32 to vector<16xi32>
    %add3A_63 = arith.addi %iota3A, %add3A_62 : vector<16xi32>
    %lt3A_64 = arith.constant 250 : i32
    %lt3A_65 = vector.broadcast %lt3A_64 : i32 to vector<16xi32>
    %lt3A_66 = arith.cmpi slt, %add3A_63, %lt3A_65 : vector<16xi32>
    %gather3A_67 = tpu.vector_load_idx %arg12[%add3A_63] masked %lt3A_66 : memref<250xi32, #tpu.memory_space<vmem>>[vector<16xi32>], vector<16xi32>, vector<16xi1>
    %gather3A_68 = tpu.vector_load_idx %arg13[%add3A_63] masked %lt3A_66 : memref<250xi32, #tpu.memory_space<vmem>>[vector<16xi32>], vector<16xi32>, vector<16xi1>
    %mul3A_69 = arith.constant 16 : i32
    %mul3A_70 = vector.broadcast %mul3A_69 : i32 to vector<16xi32>
    %mul3A_71 = arith.muli %gather3A_67, %mul3A_70 : vector<16xi32>
    %add3A_72 = arith.addi %mul3A_71, %gather3A_68 : vector<16xi32>
    tpu.vector_store_idx %arg15[%add3A_72], %broadcast_in_dim3A_7 masked %lt3A_66 {add = true} : memref<160xf32, #tpu.memory_space<vmem>>[vector<16xi32>], vector<16xf32>, vector<16xi1>
    tpu.vector_store_idx %arg17[%gather3A_67], %broadcast_in_dim3A_7 masked %lt3A_66 {add = true} : memref<32xf32, #tpu.memory_space<vmem>>[vector<16xi32>], vector<16xf32>, vector<16xi1>
    %add3A_73 = arith.constant 16 : i32
    %add3A_74 = vector.broadcast %add3A_73 : i32 to vector<16xi32>
    %add3A_75 = arith.addi %gather3A_68, %add3A_74 : vector<16xi32>
    tpu.vector_store_idx %arg17[%add3A_75], %broadcast_in_dim3A_7 masked %lt3A_66 {add = true} : memref<32xf32, #tpu.memory_space<vmem>>[vector<16xi32>], vector<16xf32>, vector<16xi1>
    %add3A_76 = arith.constant 48 : i32
    %add3A_77 = vector.broadcast %add3A_76 : i32 to vector<16xi32>
    %add3A_78 = arith.addi %iota3A, %add3A_77 : vector<16xi32>
    %lt3A_79 = arith.constant 250 : i32
    %lt3A_80 = vector.broadcast %lt3A_79 : i32 to vector<16xi32>
    %lt3A_81 = arith.cmpi slt, %add3A_78, %lt3A_80 : vector<16xi32>
    %gather3A_82 = tpu.vector_load_idx %arg12[%add3A_78] masked %lt3A_81 : memref<250xi32, #tpu.memory_space<vmem>>[vector<16xi32>], vector<16xi32>, vector<16xi1>
    %gather3A_83 = tpu.vector_load_idx %arg13[%add3A_78] masked %lt3A_81 : memref<250xi32, #tpu.memory_space<vmem>>[vector<16xi32>], vector<16xi32>, vector<16xi1>
    %mul3A_84 = arith.constant 16 : i32
    %mul3A_85 = vector.broadcast %mul3A_84 : i32 to vector<16xi32>
    %mul3A_86 = arith.muli %gather3A_82, %mul3A_85 : vector<16xi32>
    %add3A_87 = arith.addi %mul3A_86, %gather3A_83 : vector<16xi32>
    tpu.vector_store_idx %arg15[%add3A_87], %broadcast_in_dim3A_7 masked %lt3A_81 {add = true} : memref<160xf32, #tpu.memory_space<vmem>>[vector<16xi32>], vector<16xf32>, vector<16xi1>
    tpu.vector_store_idx %arg17[%gather3A_82], %broadcast_in_dim3A_7 masked %lt3A_81 {add = true} : memref<32xf32, #tpu.memory_space<vmem>>[vector<16xi32>], vector<16xf32>, vector<16xi1>
    %add3A_88 = arith.constant 16 : i32
    %add3A_89 = vector.broadcast %add3A_88 : i32 to vector<16xi32>
    %add3A_90 = arith.addi %gather3A_83, %add3A_89 : vector<16xi32>
    tpu.vector_store_idx %arg17[%add3A_90], %broadcast_in_dim3A_7 masked %lt3A_81 {add = true} : memref<32xf32, #tpu.memory_space<vmem>>[vector<16xi32>], vector<16xf32>, vector<16xi1>
    %add3A_91 = arith.constant 64 : i32
    %add3A_92 = vector.broadcast %add3A_91 : i32 to vector<16xi32>
    %add3A_93 = arith.addi %iota3A, %add3A_92 : vector<16xi32>
    %lt3A_94 = arith.constant 250 : i32
    %lt3A_95 = vector.broadcast %lt3A_94 : i32 to vector<16xi32>
    %lt3A_96 = arith.cmpi slt, %add3A_93, %lt3A_95 : vector<16xi32>
    %gather3A_97 = tpu.vector_load_idx %arg12[%add3A_93] masked %lt3A_96 : memref<250xi32, #tpu.memory_space<vmem>>[vector<16xi32>], vector<16xi32>, vector<16xi1>
    %gather3A_98 = tpu.vector_load_idx %arg13[%add3A_93] masked %lt3A_96 : memref<250xi32, #tpu.memory_space<vmem>>[vector<16xi32>], vector<16xi32>, vector<16xi1>
    %mul3A_99 = arith.constant 16 : i32
    %mul3A_100 = vector.broadcast %mul3A_99 : i32 to vector<16xi32>
    %mul3A_101 = arith.muli %gather3A_97, %mul3A_100 : vector<16xi32>
    %add3A_102 = arith.addi %mul3A_101, %gather3A_98 : vector<16xi32>
    tpu.vector_store_idx %arg15[%add3A_102], %broadcast_in_dim3A_7 masked %lt3A_96 {add = true} : memref<160xf32, #tpu.memory_space<vmem>>[vector<16xi32>], vector<16xf32>, vector<16xi1>
    tpu.vector_store_idx %arg17[%gather3A_97], %broadcast_in_dim3A_7 masked %lt3A_96 {add = true} : memref<32xf32, #tpu.memory_space<vmem>>[vector<16xi32>], vector<16xf32>, vector<16xi1>
    %add3A_103 = arith.constant 16 : i32
    %add3A_104 = vector.broadcast %add3A_103 : i32 to vector<16xi32>
    %add3A_105 = arith.addi %gather3A_98, %add3A_104 : vector<16xi32>
    tpu.vector_store_idx %arg17[%add3A_105], %broadcast_in_dim3A_7 masked %lt3A_96 {add = true} : memref<32xf32, #tpu.memory_space<vmem>>[vector<16xi32>], vector<16xf32>, vector<16xi1>
    %add3A_106 = arith.constant 80 : i32
    %add3A_107 = vector.broadcast %add3A_106 : i32 to vector<16xi32>
    %add3A_108 = arith.addi %iota3A, %add3A_107 : vector<16xi32>
    %lt3A_109 = arith.constant 250 : i32
    %lt3A_110 = vector.broadcast %lt3A_109 : i32 to vector<16xi32>
    %lt3A_111 = arith.cmpi slt, %add3A_108, %lt3A_110 : vector<16xi32>
    %gather3A_112 = tpu.vector_load_idx %arg12[%add3A_108] masked %lt3A_111 : memref<250xi32, #tpu.memory_space<vmem>>[vector<16xi32>], vector<16xi32>, vector<16xi1>
    %gather3A_113 = tpu.vector_load_idx %arg13[%add3A_108] masked %lt3A_111 : memref<250xi32, #tpu.memory_space<vmem>>[vector<16xi32>], vector<16xi32>, vector<16xi1>
    %mul3A_114 = arith.constant 16 : i32
    %mul3A_115 = vector.broadcast %mul3A_114 : i32 to vector<16xi32>
    %mul3A_116 = arith.muli %gather3A_112, %mul3A_115 : vector<16xi32>
    %add3A_117 = arith.addi %mul3A_116, %gather3A_113 : vector<16xi32>
    tpu.vector_store_idx %arg15[%add3A_117], %broadcast_in_dim3A_7 masked %lt3A_111 {add = true} : memref<160xf32, #tpu.memory_space<vmem>>[vector<16xi32>], vector<16xf32>, vector<16xi1>
    tpu.vector_store_idx %arg17[%gather3A_112], %broadcast_in_dim3A_7 masked %lt3A_111 {add = true} : memref<32xf32, #tpu.memory_space<vmem>>[vector<16xi32>], vector<16xf32>, vector<16xi1>
    %add3A_118 = arith.constant 16 : i32
    %add3A_119 = vector.broadcast %add3A_118 : i32 to vector<16xi32>
    %add3A_120 = arith.addi %gather3A_113, %add3A_119 : vector<16xi32>
    tpu.vector_store_idx %arg17[%add3A_120], %broadcast_in_dim3A_7 masked %lt3A_111 {add = true} : memref<32xf32, #tpu.memory_space<vmem>>[vector<16xi32>], vector<16xf32>, vector<16xi1>
    %add3A_121 = arith.constant 96 : i32
    %add3A_122 = vector.broadcast %add3A_121 : i32 to vector<16xi32>
    %add3A_123 = arith.addi %iota3A, %add3A_122 : vector<16xi32>
    %lt3A_124 = arith.constant 250 : i32
    %lt3A_125 = vector.broadcast %lt3A_124 : i32 to vector<16xi32>
    %lt3A_126 = arith.cmpi slt, %add3A_123, %lt3A_125 : vector<16xi32>
    %gather3A_127 = tpu.vector_load_idx %arg12[%add3A_123] masked %lt3A_126 : memref<250xi32, #tpu.memory_space<vmem>>[vector<16xi32>], vector<16xi32>, vector<16xi1>
    %gather3A_128 = tpu.vector_load_idx %arg13[%add3A_123] masked %lt3A_126 : memref<250xi32, #tpu.memory_space<vmem>>[vector<16xi32>], vector<16xi32>, vector<16xi1>
    %mul3A_129 = arith.constant 16 : i32
    %mul3A_130 = vector.broadcast %mul3A_129 : i32 to vector<16xi32>
    %mul3A_131 = arith.muli %gather3A_127, %mul3A_130 : vector<16xi32>
    %add3A_132 = arith.addi %mul3A_131, %gather3A_128 : vector<16xi32>
    tpu.vector_store_idx %arg15[%add3A_132], %broadcast_in_dim3A_7 masked %lt3A_126 {add = true} : memref<160xf32, #tpu.memory_space<vmem>>[vector<16xi32>], vector<16xf32>, vector<16xi1>
    tpu.vector_store_idx %arg17[%gather3A_127], %broadcast_in_dim3A_7 masked %lt3A_126 {add = true} : memref<32xf32, #tpu.memory_space<vmem>>[vector<16xi32>], vector<16xf32>, vector<16xi1>
    %add3A_133 = arith.constant 16 : i32
    %add3A_134 = vector.broadcast %add3A_133 : i32 to vector<16xi32>
    %add3A_135 = arith.addi %gather3A_128, %add3A_134 : vector<16xi32>
    tpu.vector_store_idx %arg17[%add3A_135], %broadcast_in_dim3A_7 masked %lt3A_126 {add = true} : memref<32xf32, #tpu.memory_space<vmem>>[vector<16xi32>], vector<16xf32>, vector<16xi1>
    %add3A_136 = arith.constant 112 : i32
    %add3A_137 = vector.broadcast %add3A_136 : i32 to vector<16xi32>
    %add3A_138 = arith.addi %iota3A, %add3A_137 : vector<16xi32>
    %lt3A_139 = arith.constant 250 : i32
    %lt3A_140 = vector.broadcast %lt3A_139 : i32 to vector<16xi32>
    %lt3A_141 = arith.cmpi slt, %add3A_138, %lt3A_140 : vector<16xi32>
    %gather3A_142 = tpu.vector_load_idx %arg12[%add3A_138] masked %lt3A_141 : memref<250xi32, #tpu.memory_space<vmem>>[vector<16xi32>], vector<16xi32>, vector<16xi1>
    %gather3A_143 = tpu.vector_load_idx %arg13[%add3A_138] masked %lt3A_141 : memref<250xi32, #tpu.memory_space<vmem>>[vector<16xi32>], vector<16xi32>, vector<16xi1>
    %mul3A_144 = arith.constant 16 : i32
    %mul3A_145 = vector.broadcast %mul3A_144 : i32 to vector<16xi32>
    %mul3A_146 = arith.muli %gather3A_142, %mul3A_145 : vector<16xi32>
    %add3A_147 = arith.addi %mul3A_146, %gather3A_143 : vector<16xi32>
    tpu.vector_store_idx %arg15[%add3A_147], %broadcast_in_dim3A_7 masked %lt3A_141 {add = true} : memref<160xf32, #tpu.memory_space<vmem>>[vector<16xi32>], vector<16xf32>, vector<16xi1>
    tpu.vector_store_idx %arg17[%gather3A_142], %broadcast_in_dim3A_7 masked %lt3A_141 {add = true} : memref<32xf32, #tpu.memory_space<vmem>>[vector<16xi32>], vector<16xf32>, vector<16xi1>
    %add3A_148 = arith.constant 16 : i32
    %add3A_149 = vector.broadcast %add3A_148 : i32 to vector<16xi32>
    %add3A_150 = arith.addi %gather3A_143, %add3A_149 : vector<16xi32>
    tpu.vector_store_idx %arg17[%add3A_150], %broadcast_in_dim3A_7 masked %lt3A_141 {add = true} : memref<32xf32, #tpu.memory_space<vmem>>[vector<16xi32>], vector<16xf32>, vector<16xi1>
    %add3A_151 = arith.constant 128 : i32
    %add3A_152 = vector.broadcast %add3A_151 : i32 to vector<16xi32>
    %add3A_153 = arith.addi %iota3A, %add3A_152 : vector<16xi32>
    %lt3A_154 = arith.constant 250 : i32
    %lt3A_155 = vector.broadcast %lt3A_154 : i32 to vector<16xi32>
    %lt3A_156 = arith.cmpi slt, %add3A_153, %lt3A_155 : vector<16xi32>
    %gather3A_157 = tpu.vector_load_idx %arg12[%add3A_153] masked %lt3A_156 : memref<250xi32, #tpu.memory_space<vmem>>[vector<16xi32>], vector<16xi32>, vector<16xi1>
    %gather3A_158 = tpu.vector_load_idx %arg13[%add3A_153] masked %lt3A_156 : memref<250xi32, #tpu.memory_space<vmem>>[vector<16xi32>], vector<16xi32>, vector<16xi1>
    %mul3A_159 = arith.constant 16 : i32
    %mul3A_160 = vector.broadcast %mul3A_159 : i32 to vector<16xi32>
    %mul3A_161 = arith.muli %gather3A_157, %mul3A_160 : vector<16xi32>
    %add3A_162 = arith.addi %mul3A_161, %gather3A_158 : vector<16xi32>
    tpu.vector_store_idx %arg15[%add3A_162], %broadcast_in_dim3A_7 masked %lt3A_156 {add = true} : memref<160xf32, #tpu.memory_space<vmem>>[vector<16xi32>], vector<16xf32>, vector<16xi1>
    tpu.vector_store_idx %arg17[%gather3A_157], %broadcast_in_dim3A_7 masked %lt3A_156 {add = true} : memref<32xf32, #tpu.memory_space<vmem>>[vector<16xi32>], vector<16xf32>, vector<16xi1>
    %add3A_163 = arith.constant 16 : i32
    %add3A_164 = vector.broadcast %add3A_163 : i32 to vector<16xi32>
    %add3A_165 = arith.addi %gather3A_158, %add3A_164 : vector<16xi32>
    tpu.vector_store_idx %arg17[%add3A_165], %broadcast_in_dim3A_7 masked %lt3A_156 {add = true} : memref<32xf32, #tpu.memory_space<vmem>>[vector<16xi32>], vector<16xf32>, vector<16xi1>
    %add3A_166 = arith.constant 144 : i32
    %add3A_167 = vector.broadcast %add3A_166 : i32 to vector<16xi32>
    %add3A_168 = arith.addi %iota3A, %add3A_167 : vector<16xi32>
    %lt3A_169 = arith.constant 250 : i32
    %lt3A_170 = vector.broadcast %lt3A_169 : i32 to vector<16xi32>
    %lt3A_171 = arith.cmpi slt, %add3A_168, %lt3A_170 : vector<16xi32>
    %gather3A_172 = tpu.vector_load_idx %arg12[%add3A_168] masked %lt3A_171 : memref<250xi32, #tpu.memory_space<vmem>>[vector<16xi32>], vector<16xi32>, vector<16xi1>
    %gather3A_173 = tpu.vector_load_idx %arg13[%add3A_168] masked %lt3A_171 : memref<250xi32, #tpu.memory_space<vmem>>[vector<16xi32>], vector<16xi32>, vector<16xi1>
    %mul3A_174 = arith.constant 16 : i32
    %mul3A_175 = vector.broadcast %mul3A_174 : i32 to vector<16xi32>
    %mul3A_176 = arith.muli %gather3A_172, %mul3A_175 : vector<16xi32>
    %add3A_177 = arith.addi %mul3A_176, %gather3A_173 : vector<16xi32>
    tpu.vector_store_idx %arg15[%add3A_177], %broadcast_in_dim3A_7 masked %lt3A_171 {add = true} : memref<160xf32, #tpu.memory_space<vmem>>[vector<16xi32>], vector<16xf32>, vector<16xi1>
    tpu.vector_store_idx %arg17[%gather3A_172], %broadcast_in_dim3A_7 masked %lt3A_171 {add = true} : memref<32xf32, #tpu.memory_space<vmem>>[vector<16xi32>], vector<16xf32>, vector<16xi1>
    %add3A_178 = arith.constant 16 : i32
    %add3A_179 = vector.broadcast %add3A_178 : i32 to vector<16xi32>
    %add3A_180 = arith.addi %gather3A_173, %add3A_179 : vector<16xi32>
    tpu.vector_store_idx %arg17[%add3A_180], %broadcast_in_dim3A_7 masked %lt3A_171 {add = true} : memref<32xf32, #tpu.memory_space<vmem>>[vector<16xi32>], vector<16xf32>, vector<16xi1>
    %add3A_181 = arith.constant 160 : i32
    %add3A_182 = vector.broadcast %add3A_181 : i32 to vector<16xi32>
    %add3A_183 = arith.addi %iota3A, %add3A_182 : vector<16xi32>
    %lt3A_184 = arith.constant 250 : i32
    %lt3A_185 = vector.broadcast %lt3A_184 : i32 to vector<16xi32>
    %lt3A_186 = arith.cmpi slt, %add3A_183, %lt3A_185 : vector<16xi32>
    %gather3A_187 = tpu.vector_load_idx %arg12[%add3A_183] masked %lt3A_186 : memref<250xi32, #tpu.memory_space<vmem>>[vector<16xi32>], vector<16xi32>, vector<16xi1>
    %gather3A_188 = tpu.vector_load_idx %arg13[%add3A_183] masked %lt3A_186 : memref<250xi32, #tpu.memory_space<vmem>>[vector<16xi32>], vector<16xi32>, vector<16xi1>
    %mul3A_189 = arith.constant 16 : i32
    %mul3A_190 = vector.broadcast %mul3A_189 : i32 to vector<16xi32>
    %mul3A_191 = arith.muli %gather3A_187, %mul3A_190 : vector<16xi32>
    %add3A_192 = arith.addi %mul3A_191, %gather3A_188 : vector<16xi32>
    tpu.vector_store_idx %arg15[%add3A_192], %broadcast_in_dim3A_7 masked %lt3A_186 {add = true} : memref<160xf32, #tpu.memory_space<vmem>>[vector<16xi32>], vector<16xf32>, vector<16xi1>
    tpu.vector_store_idx %arg17[%gather3A_187], %broadcast_in_dim3A_7 masked %lt3A_186 {add = true} : memref<32xf32, #tpu.memory_space<vmem>>[vector<16xi32>], vector<16xf32>, vector<16xi1>
    %add3A_193 = arith.constant 16 : i32
    %add3A_194 = vector.broadcast %add3A_193 : i32 to vector<16xi32>
    %add3A_195 = arith.addi %gather3A_188, %add3A_194 : vector<16xi32>
    tpu.vector_store_idx %arg17[%add3A_195], %broadcast_in_dim3A_7 masked %lt3A_186 {add = true} : memref<32xf32, #tpu.memory_space<vmem>>[vector<16xi32>], vector<16xf32>, vector<16xi1>
    %add3A_196 = arith.constant 176 : i32
    %add3A_197 = vector.broadcast %add3A_196 : i32 to vector<16xi32>
    %add3A_198 = arith.addi %iota3A, %add3A_197 : vector<16xi32>
    %lt3A_199 = arith.constant 250 : i32
    %lt3A_200 = vector.broadcast %lt3A_199 : i32 to vector<16xi32>
    %lt3A_201 = arith.cmpi slt, %add3A_198, %lt3A_200 : vector<16xi32>
    %gather3A_202 = tpu.vector_load_idx %arg12[%add3A_198] masked %lt3A_201 : memref<250xi32, #tpu.memory_space<vmem>>[vector<16xi32>], vector<16xi32>, vector<16xi1>
    %gather3A_203 = tpu.vector_load_idx %arg13[%add3A_198] masked %lt3A_201 : memref<250xi32, #tpu.memory_space<vmem>>[vector<16xi32>], vector<16xi32>, vector<16xi1>
    %mul3A_204 = arith.constant 16 : i32
    %mul3A_205 = vector.broadcast %mul3A_204 : i32 to vector<16xi32>
    %mul3A_206 = arith.muli %gather3A_202, %mul3A_205 : vector<16xi32>
    %add3A_207 = arith.addi %mul3A_206, %gather3A_203 : vector<16xi32>
    tpu.vector_store_idx %arg15[%add3A_207], %broadcast_in_dim3A_7 masked %lt3A_201 {add = true} : memref<160xf32, #tpu.memory_space<vmem>>[vector<16xi32>], vector<16xf32>, vector<16xi1>
    tpu.vector_store_idx %arg17[%gather3A_202], %broadcast_in_dim3A_7 masked %lt3A_201 {add = true} : memref<32xf32, #tpu.memory_space<vmem>>[vector<16xi32>], vector<16xf32>, vector<16xi1>
    %add3A_208 = arith.constant 16 : i32
    %add3A_209 = vector.broadcast %add3A_208 : i32 to vector<16xi32>
    %add3A_210 = arith.addi %gather3A_203, %add3A_209 : vector<16xi32>
    tpu.vector_store_idx %arg17[%add3A_210], %broadcast_in_dim3A_7 masked %lt3A_201 {add = true} : memref<32xf32, #tpu.memory_space<vmem>>[vector<16xi32>], vector<16xf32>, vector<16xi1>
    %add3A_211 = arith.constant 192 : i32
    %add3A_212 = vector.broadcast %add3A_211 : i32 to vector<16xi32>
    %add3A_213 = arith.addi %iota3A, %add3A_212 : vector<16xi32>
    %lt3A_214 = arith.constant 250 : i32
    %lt3A_215 = vector.broadcast %lt3A_214 : i32 to vector<16xi32>
    %lt3A_216 = arith.cmpi slt, %add3A_213, %lt3A_215 : vector<16xi32>
    %gather3A_217 = tpu.vector_load_idx %arg12[%add3A_213] masked %lt3A_216 : memref<250xi32, #tpu.memory_space<vmem>>[vector<16xi32>], vector<16xi32>, vector<16xi1>
    %gather3A_218 = tpu.vector_load_idx %arg13[%add3A_213] masked %lt3A_216 : memref<250xi32, #tpu.memory_space<vmem>>[vector<16xi32>], vector<16xi32>, vector<16xi1>
    %mul3A_219 = arith.constant 16 : i32
    %mul3A_220 = vector.broadcast %mul3A_219 : i32 to vector<16xi32>
    %mul3A_221 = arith.muli %gather3A_217, %mul3A_220 : vector<16xi32>
    %add3A_222 = arith.addi %mul3A_221, %gather3A_218 : vector<16xi32>
    tpu.vector_store_idx %arg15[%add3A_222], %broadcast_in_dim3A_7 masked %lt3A_216 {add = true} : memref<160xf32, #tpu.memory_space<vmem>>[vector<16xi32>], vector<16xf32>, vector<16xi1>
    tpu.vector_store_idx %arg17[%gather3A_217], %broadcast_in_dim3A_7 masked %lt3A_216 {add = true} : memref<32xf32, #tpu.memory_space<vmem>>[vector<16xi32>], vector<16xf32>, vector<16xi1>
    %add3A_223 = arith.constant 16 : i32
    %add3A_224 = vector.broadcast %add3A_223 : i32 to vector<16xi32>
    %add3A_225 = arith.addi %gather3A_218, %add3A_224 : vector<16xi32>
    tpu.vector_store_idx %arg17[%add3A_225], %broadcast_in_dim3A_7 masked %lt3A_216 {add = true} : memref<32xf32, #tpu.memory_space<vmem>>[vector<16xi32>], vector<16xf32>, vector<16xi1>
    %add3A_226 = arith.constant 208 : i32
    %add3A_227 = vector.broadcast %add3A_226 : i32 to vector<16xi32>
    %add3A_228 = arith.addi %iota3A, %add3A_227 : vector<16xi32>
    %lt3A_229 = arith.constant 250 : i32
    %lt3A_230 = vector.broadcast %lt3A_229 : i32 to vector<16xi32>
    %lt3A_231 = arith.cmpi slt, %add3A_228, %lt3A_230 : vector<16xi32>
    %gather3A_232 = tpu.vector_load_idx %arg12[%add3A_228] masked %lt3A_231 : memref<250xi32, #tpu.memory_space<vmem>>[vector<16xi32>], vector<16xi32>, vector<16xi1>
    %gather3A_233 = tpu.vector_load_idx %arg13[%add3A_228] masked %lt3A_231 : memref<250xi32, #tpu.memory_space<vmem>>[vector<16xi32>], vector<16xi32>, vector<16xi1>
    %mul3A_234 = arith.constant 16 : i32
    %mul3A_235 = vector.broadcast %mul3A_234 : i32 to vector<16xi32>
    %mul3A_236 = arith.muli %gather3A_232, %mul3A_235 : vector<16xi32>
    %add3A_237 = arith.addi %mul3A_236, %gather3A_233 : vector<16xi32>
    tpu.vector_store_idx %arg15[%add3A_237], %broadcast_in_dim3A_7 masked %lt3A_231 {add = true} : memref<160xf32, #tpu.memory_space<vmem>>[vector<16xi32>], vector<16xf32>, vector<16xi1>
    tpu.vector_store_idx %arg17[%gather3A_232], %broadcast_in_dim3A_7 masked %lt3A_231 {add = true} : memref<32xf32, #tpu.memory_space<vmem>>[vector<16xi32>], vector<16xf32>, vector<16xi1>
    %add3A_238 = arith.constant 16 : i32
    %add3A_239 = vector.broadcast %add3A_238 : i32 to vector<16xi32>
    %add3A_240 = arith.addi %gather3A_233, %add3A_239 : vector<16xi32>
    tpu.vector_store_idx %arg17[%add3A_240], %broadcast_in_dim3A_7 masked %lt3A_231 {add = true} : memref<32xf32, #tpu.memory_space<vmem>>[vector<16xi32>], vector<16xf32>, vector<16xi1>
    %add3A_241 = arith.constant 224 : i32
    %add3A_242 = vector.broadcast %add3A_241 : i32 to vector<16xi32>
    %add3A_243 = arith.addi %iota3A, %add3A_242 : vector<16xi32>
    %lt3A_244 = arith.constant 250 : i32
    %lt3A_245 = vector.broadcast %lt3A_244 : i32 to vector<16xi32>
    %lt3A_246 = arith.cmpi slt, %add3A_243, %lt3A_245 : vector<16xi32>
    %gather3A_247 = tpu.vector_load_idx %arg12[%add3A_243] masked %lt3A_246 : memref<250xi32, #tpu.memory_space<vmem>>[vector<16xi32>], vector<16xi32>, vector<16xi1>
    %gather3A_248 = tpu.vector_load_idx %arg13[%add3A_243] masked %lt3A_246 : memref<250xi32, #tpu.memory_space<vmem>>[vector<16xi32>], vector<16xi32>, vector<16xi1>
    %mul3A_249 = arith.constant 16 : i32
    %mul3A_250 = vector.broadcast %mul3A_249 : i32 to vector<16xi32>
    %mul3A_251 = arith.muli %gather3A_247, %mul3A_250 : vector<16xi32>
    %add3A_252 = arith.addi %mul3A_251, %gather3A_248 : vector<16xi32>
    tpu.vector_store_idx %arg15[%add3A_252], %broadcast_in_dim3A_7 masked %lt3A_246 {add = true} : memref<160xf32, #tpu.memory_space<vmem>>[vector<16xi32>], vector<16xf32>, vector<16xi1>
    tpu.vector_store_idx %arg17[%gather3A_247], %broadcast_in_dim3A_7 masked %lt3A_246 {add = true} : memref<32xf32, #tpu.memory_space<vmem>>[vector<16xi32>], vector<16xf32>, vector<16xi1>
    %add3A_253 = arith.constant 16 : i32
    %add3A_254 = vector.broadcast %add3A_253 : i32 to vector<16xi32>
    %add3A_255 = arith.addi %gather3A_248, %add3A_254 : vector<16xi32>
    tpu.vector_store_idx %arg17[%add3A_255], %broadcast_in_dim3A_7 masked %lt3A_246 {add = true} : memref<32xf32, #tpu.memory_space<vmem>>[vector<16xi32>], vector<16xf32>, vector<16xi1>
    %add3A_256 = arith.constant 240 : i32
    %add3A_257 = vector.broadcast %add3A_256 : i32 to vector<16xi32>
    %add3A_258 = arith.addi %iota3A, %add3A_257 : vector<16xi32>
    %lt3A_259 = arith.constant 250 : i32
    %lt3A_260 = vector.broadcast %lt3A_259 : i32 to vector<16xi32>
    %lt3A_261 = arith.cmpi slt, %add3A_258, %lt3A_260 : vector<16xi32>
    %gather3A_262 = tpu.vector_load_idx %arg12[%add3A_258] masked %lt3A_261 : memref<250xi32, #tpu.memory_space<vmem>>[vector<16xi32>], vector<16xi32>, vector<16xi1>
    %gather3A_263 = tpu.vector_load_idx %arg13[%add3A_258] masked %lt3A_261 : memref<250xi32, #tpu.memory_space<vmem>>[vector<16xi32>], vector<16xi32>, vector<16xi1>
    %mul3A_264 = arith.constant 16 : i32
    %mul3A_265 = vector.broadcast %mul3A_264 : i32 to vector<16xi32>
    %mul3A_266 = arith.muli %gather3A_262, %mul3A_265 : vector<16xi32>
    %add3A_267 = arith.addi %mul3A_266, %gather3A_263 : vector<16xi32>
    tpu.vector_store_idx %arg15[%add3A_267], %broadcast_in_dim3A_7 masked %lt3A_261 {add = true} : memref<160xf32, #tpu.memory_space<vmem>>[vector<16xi32>], vector<16xf32>, vector<16xi1>
    tpu.vector_store_idx %arg17[%gather3A_262], %broadcast_in_dim3A_7 masked %lt3A_261 {add = true} : memref<32xf32, #tpu.memory_space<vmem>>[vector<16xi32>], vector<16xf32>, vector<16xi1>
    %add3A_268 = arith.constant 16 : i32
    %add3A_269 = vector.broadcast %add3A_268 : i32 to vector<16xi32>
    %add3A_270 = arith.addi %gather3A_263, %add3A_269 : vector<16xi32>
    tpu.vector_store_idx %arg17[%add3A_270], %broadcast_in_dim3A_7 masked %lt3A_261 {add = true} : memref<32xf32, #tpu.memory_space<vmem>>[vector<16xi32>], vector<16xf32>, vector<16xi1>
    %get3A = arith.constant 0 : index
    %get3A_271 = tpu.vector_load %arg17[%get3A] {strides = array<i32>} : memref<32xf32, #tpu.memory_space<vmem>>, vector<16xf32>,
    %mul3A_272 = arith.constant 4.000000e-03 : f32
    %mul3A_273 = vector.broadcast %mul3A_272 : f32 to vector<16xf32>
    %mul3A_274 = arith.mulf %get3A_271, %mul3A_273 : vector<16xf32>
    %lt3A_275 = arith.constant 10 : i32
    %lt3A_276 = vector.broadcast %lt3A_275 : i32 to vector<16xi32>
    %lt3A_277 = arith.cmpi slt, %iota3A, %lt3A_276 : vector<16xi32>
    %broadcast_in_dim3A_278 = arith.constant 10 : i32
    %broadcast_in_dim3A_279 = vector.broadcast %broadcast_in_dim3A_278 : i32 to vector<16xi32>
    %gather3A_280 = tpu.vector_load_idx %arg15[%broadcast_in_dim3A_279] : memref<160xf32, #tpu.memory_space<vmem>>[vector<16xi32>], vector<16xf32>,
    %get3A_281 = arith.constant 0 : index
    %get3A_282 = tpu.vector_load %arg15[%get3A_281] {strides = array<i32>} : memref<160xf32, #tpu.memory_space<vmem>>, vector<16xf32>,
    %mul3A_283 = arith.mulf %gather3A_280, %mul3A_274 : vector<16xf32>
    %add3A_284 = arith.addf %get3A_282, %mul3A_283 : vector<16xf32>
    %swap3A_285 = arith.constant 0 : index
    %swap3A_286 = tpu.vector_load %arg15[%swap3A_285] {strides = array<i32>} : memref<160xf32, #tpu.memory_space<vmem>>, vector<16xf32>,
    tpu.vector_store %arg15[%swap3A_285], %add3A_284 {strides = array<i32>} : memref<160xf32, #tpu.memory_space<vmem>>, vector<16xf32>,
    %add3A_287 = arith.addf %broadcast_in_dim3A_9, %add3A_284 : vector<16xf32>
    %broadcast_in_dim3A_288 = arith.constant 26 : i32
    %broadcast_in_dim3A_289 = vector.broadcast %broadcast_in_dim3A_288 : i32 to vector<16xi32>
    %gather3A_290 = tpu.vector_load_idx %arg15[%broadcast_in_dim3A_289] : memref<160xf32, #tpu.memory_space<vmem>>[vector<16xi32>], vector<16xf32>,
    %get3A_291 = arith.constant 16 : index
    %get3A_292 = tpu.vector_load %arg15[%get3A_291] {strides = array<i32>} : memref<160xf32, #tpu.memory_space<vmem>>, vector<16xf32>,
    %mul3A_293 = arith.mulf %gather3A_290, %mul3A_274 : vector<16xf32>
    %add3A_294 = arith.addf %get3A_292, %mul3A_293 : vector<16xf32>
    %swap3A_295 = arith.constant 16 : index
    %swap3A_296 = tpu.vector_load %arg15[%swap3A_295] {strides = array<i32>} : memref<160xf32, #tpu.memory_space<vmem>>, vector<16xf32>,
    tpu.vector_store %arg15[%swap3A_295], %add3A_294 {strides = array<i32>} : memref<160xf32, #tpu.memory_space<vmem>>, vector<16xf32>,
    %add3A_297 = arith.addf %add3A_287, %add3A_294 : vector<16xf32>
    %broadcast_in_dim3A_298 = arith.constant 42 : i32
    %broadcast_in_dim3A_299 = vector.broadcast %broadcast_in_dim3A_298 : i32 to vector<16xi32>
    %gather3A_300 = tpu.vector_load_idx %arg15[%broadcast_in_dim3A_299] : memref<160xf32, #tpu.memory_space<vmem>>[vector<16xi32>], vector<16xf32>,
    %get3A_301 = arith.constant 32 : index
    %get3A_302 = tpu.vector_load %arg15[%get3A_301] {strides = array<i32>} : memref<160xf32, #tpu.memory_space<vmem>>, vector<16xf32>,
    %mul3A_303 = arith.mulf %gather3A_300, %mul3A_274 : vector<16xf32>
    %add3A_304 = arith.addf %get3A_302, %mul3A_303 : vector<16xf32>
    %swap3A_305 = arith.constant 32 : index
    %swap3A_306 = tpu.vector_load %arg15[%swap3A_305] {strides = array<i32>} : memref<160xf32, #tpu.memory_space<vmem>>, vector<16xf32>,
    tpu.vector_store %arg15[%swap3A_305], %add3A_304 {strides = array<i32>} : memref<160xf32, #tpu.memory_space<vmem>>, vector<16xf32>,
    %add3A_307 = arith.addf %add3A_297, %add3A_304 : vector<16xf32>
    %broadcast_in_dim3A_308 = arith.constant 58 : i32
    %broadcast_in_dim3A_309 = vector.broadcast %broadcast_in_dim3A_308 : i32 to vector<16xi32>
    %gather3A_310 = tpu.vector_load_idx %arg15[%broadcast_in_dim3A_309] : memref<160xf32, #tpu.memory_space<vmem>>[vector<16xi32>], vector<16xf32>,
    %get3A_311 = arith.constant 48 : index
    %get3A_312 = tpu.vector_load %arg15[%get3A_311] {strides = array<i32>} : memref<160xf32, #tpu.memory_space<vmem>>, vector<16xf32>,
    %mul3A_313 = arith.mulf %gather3A_310, %mul3A_274 : vector<16xf32>
    %add3A_314 = arith.addf %get3A_312, %mul3A_313 : vector<16xf32>
    %swap3A_315 = arith.constant 48 : index
    %swap3A_316 = tpu.vector_load %arg15[%swap3A_315] {strides = array<i32>} : memref<160xf32, #tpu.memory_space<vmem>>, vector<16xf32>,
    tpu.vector_store %arg15[%swap3A_315], %add3A_314 {strides = array<i32>} : memref<160xf32, #tpu.memory_space<vmem>>, vector<16xf32>,
    %add3A_317 = arith.addf %add3A_307, %add3A_314 : vector<16xf32>
    %broadcast_in_dim3A_318 = arith.constant 74 : i32
    %broadcast_in_dim3A_319 = vector.broadcast %broadcast_in_dim3A_318 : i32 to vector<16xi32>
    %gather3A_320 = tpu.vector_load_idx %arg15[%broadcast_in_dim3A_319] : memref<160xf32, #tpu.memory_space<vmem>>[vector<16xi32>], vector<16xf32>,
    %get3A_321 = arith.constant 64 : index
    %get3A_322 = tpu.vector_load %arg15[%get3A_321] {strides = array<i32>} : memref<160xf32, #tpu.memory_space<vmem>>, vector<16xf32>,
    %mul3A_323 = arith.mulf %gather3A_320, %mul3A_274 : vector<16xf32>
    %add3A_324 = arith.addf %get3A_322, %mul3A_323 : vector<16xf32>
    %swap3A_325 = arith.constant 64 : index
    %swap3A_326 = tpu.vector_load %arg15[%swap3A_325] {strides = array<i32>} : memref<160xf32, #tpu.memory_space<vmem>>, vector<16xf32>,
    tpu.vector_store %arg15[%swap3A_325], %add3A_324 {strides = array<i32>} : memref<160xf32, #tpu.memory_space<vmem>>, vector<16xf32>,
    %add3A_327 = arith.addf %add3A_317, %add3A_324 : vector<16xf32>
    %broadcast_in_dim3A_328 = arith.constant 90 : i32
    %broadcast_in_dim3A_329 = vector.broadcast %broadcast_in_dim3A_328 : i32 to vector<16xi32>
    %gather3A_330 = tpu.vector_load_idx %arg15[%broadcast_in_dim3A_329] : memref<160xf32, #tpu.memory_space<vmem>>[vector<16xi32>], vector<16xf32>,
    %get3A_331 = arith.constant 80 : index
    %get3A_332 = tpu.vector_load %arg15[%get3A_331] {strides = array<i32>} : memref<160xf32, #tpu.memory_space<vmem>>, vector<16xf32>,
    %mul3A_333 = arith.mulf %gather3A_330, %mul3A_274 : vector<16xf32>
    %add3A_334 = arith.addf %get3A_332, %mul3A_333 : vector<16xf32>
    %swap3A_335 = arith.constant 80 : index
    %swap3A_336 = tpu.vector_load %arg15[%swap3A_335] {strides = array<i32>} : memref<160xf32, #tpu.memory_space<vmem>>, vector<16xf32>,
    tpu.vector_store %arg15[%swap3A_335], %add3A_334 {strides = array<i32>} : memref<160xf32, #tpu.memory_space<vmem>>, vector<16xf32>,
    %add3A_337 = arith.addf %add3A_327, %add3A_334 : vector<16xf32>
    %broadcast_in_dim3A_338 = arith.constant 106 : i32
    %broadcast_in_dim3A_339 = vector.broadcast %broadcast_in_dim3A_338 : i32 to vector<16xi32>
    %gather3A_340 = tpu.vector_load_idx %arg15[%broadcast_in_dim3A_339] : memref<160xf32, #tpu.memory_space<vmem>>[vector<16xi32>], vector<16xf32>,
    %get3A_341 = arith.constant 96 : index
    %get3A_342 = tpu.vector_load %arg15[%get3A_341] {strides = array<i32>} : memref<160xf32, #tpu.memory_space<vmem>>, vector<16xf32>,
    %mul3A_343 = arith.mulf %gather3A_340, %mul3A_274 : vector<16xf32>
    %add3A_344 = arith.addf %get3A_342, %mul3A_343 : vector<16xf32>
    %swap3A_345 = arith.constant 96 : index
    %swap3A_346 = tpu.vector_load %arg15[%swap3A_345] {strides = array<i32>} : memref<160xf32, #tpu.memory_space<vmem>>, vector<16xf32>,
    tpu.vector_store %arg15[%swap3A_345], %add3A_344 {strides = array<i32>} : memref<160xf32, #tpu.memory_space<vmem>>, vector<16xf32>,
    %add3A_347 = arith.addf %add3A_337, %add3A_344 : vector<16xf32>
    %broadcast_in_dim3A_348 = arith.constant 122 : i32
    %broadcast_in_dim3A_349 = vector.broadcast %broadcast_in_dim3A_348 : i32 to vector<16xi32>
    %gather3A_350 = tpu.vector_load_idx %arg15[%broadcast_in_dim3A_349] : memref<160xf32, #tpu.memory_space<vmem>>[vector<16xi32>], vector<16xf32>,
    %get3A_351 = arith.constant 112 : index
    %get3A_352 = tpu.vector_load %arg15[%get3A_351] {strides = array<i32>} : memref<160xf32, #tpu.memory_space<vmem>>, vector<16xf32>,
    %mul3A_353 = arith.mulf %gather3A_350, %mul3A_274 : vector<16xf32>
    %add3A_354 = arith.addf %get3A_352, %mul3A_353 : vector<16xf32>
    %swap3A_355 = arith.constant 112 : index
    %swap3A_356 = tpu.vector_load %arg15[%swap3A_355] {strides = array<i32>} : memref<160xf32, #tpu.memory_space<vmem>>, vector<16xf32>,
    tpu.vector_store %arg15[%swap3A_355], %add3A_354 {strides = array<i32>} : memref<160xf32, #tpu.memory_space<vmem>>, vector<16xf32>,
    %add3A_357 = arith.addf %add3A_347, %add3A_354 : vector<16xf32>
    %broadcast_in_dim3A_358 = arith.constant 138 : i32
    %broadcast_in_dim3A_359 = vector.broadcast %broadcast_in_dim3A_358 : i32 to vector<16xi32>
    %gather3A_360 = tpu.vector_load_idx %arg15[%broadcast_in_dim3A_359] : memref<160xf32, #tpu.memory_space<vmem>>[vector<16xi32>], vector<16xf32>,
    %get3A_361 = arith.constant 128 : index
    %get3A_362 = tpu.vector_load %arg15[%get3A_361] {strides = array<i32>} : memref<160xf32, #tpu.memory_space<vmem>>, vector<16xf32>,
    %mul3A_363 = arith.mulf %gather3A_360, %mul3A_274 : vector<16xf32>
    %add3A_364 = arith.addf %get3A_362, %mul3A_363 : vector<16xf32>
    %swap3A_365 = arith.constant 128 : index
    %swap3A_366 = tpu.vector_load %arg15[%swap3A_365] {strides = array<i32>} : memref<160xf32, #tpu.memory_space<vmem>>, vector<16xf32>,
    tpu.vector_store %arg15[%swap3A_365], %add3A_364 {strides = array<i32>} : memref<160xf32, #tpu.memory_space<vmem>>, vector<16xf32>,
    %add3A_367 = arith.addf %add3A_357, %add3A_364 : vector<16xf32>
    %broadcast_in_dim3A_368 = arith.constant 154 : i32
    %broadcast_in_dim3A_369 = vector.broadcast %broadcast_in_dim3A_368 : i32 to vector<16xi32>
    %gather3A_370 = tpu.vector_load_idx %arg15[%broadcast_in_dim3A_369] : memref<160xf32, #tpu.memory_space<vmem>>[vector<16xi32>], vector<16xf32>,
    %get3A_371 = arith.constant 144 : index
    %get3A_372 = tpu.vector_load %arg15[%get3A_371] {strides = array<i32>} : memref<160xf32, #tpu.memory_space<vmem>>, vector<16xf32>,
    %mul3A_373 = arith.mulf %gather3A_370, %mul3A_274 : vector<16xf32>
    %add3A_374 = arith.addf %get3A_372, %mul3A_373 : vector<16xf32>
    %swap3A_375 = arith.constant 144 : index
    %swap3A_376 = tpu.vector_load %arg15[%swap3A_375] {strides = array<i32>} : memref<160xf32, #tpu.memory_space<vmem>>, vector<16xf32>,
    tpu.vector_store %arg15[%swap3A_375], %add3A_374 {strides = array<i32>} : memref<160xf32, #tpu.memory_space<vmem>>, vector<16xf32>,
    %add3A_377 = arith.addf %add3A_367, %add3A_374 : vector<16xf32>
    %mul3A_378 = arith.constant 10 : i32
    %mul3A_379 = vector.broadcast %mul3A_378 : i32 to vector<16xi32>
    %mul3A_380 = arith.muli %iota3A, %mul3A_379 : vector<16xi32>
    %add3A_381 = arith.constant 0 : i32
    %add3A_382 = vector.broadcast %add3A_381 : i32 to vector<16xi32>
    %add3A_383 = arith.addi %mul3A_380, %add3A_382 : vector<16xi32>
    %gather3A_384 = tpu.vector_load_idx %arg14[%add3A_383] masked %lt3A_277 : memref<100xf32, #tpu.memory_space<vmem>>[vector<16xi32>], vector<16xf32>, vector<16xi1>
    %get3A_385 = arith.constant 0 : index
    %get3A_386 = tpu.vector_load %arg15[%get3A_385] {strides = array<i32>} : memref<160xf32, #tpu.memory_space<vmem>>, vector<16xf32>,
    %select_n3A = arith.select %lt3A_277, %get3A_386, %broadcast_in_dim3A_7 : vector<16xi1>, vector<16xf32>
    %mul3A_387 = arith.mulf %gather3A_384, %add3A_377 : vector<16xf32>
    %div3A = arith.divf %mul3A_387, %select_n3A : vector<16xf32>
    %swap3A_388 = arith.constant 0 : index
    %swap3A_389 = tpu.vector_load %arg16[%swap3A_388] {strides = array<i32>} : memref<160xf32, #tpu.memory_space<vmem>>, vector<16xf32>,
    tpu.vector_store %arg16[%swap3A_388], %div3A {strides = array<i32>} : memref<160xf32, #tpu.memory_space<vmem>>, vector<16xf32>,
    %mul3A_390 = arith.constant 10 : i32
    %mul3A_391 = vector.broadcast %mul3A_390 : i32 to vector<16xi32>
    %mul3A_392 = arith.muli %iota3A, %mul3A_391 : vector<16xi32>
    %add3A_393 = arith.constant 1 : i32
    %add3A_394 = vector.broadcast %add3A_393 : i32 to vector<16xi32>
    %add3A_395 = arith.addi %mul3A_392, %add3A_394 : vector<16xi32>
    %gather3A_396 = tpu.vector_load_idx %arg14[%add3A_395] masked %lt3A_277 : memref<100xf32, #tpu.memory_space<vmem>>[vector<16xi32>], vector<16xf32>, vector<16xi1>
    %get3A_397 = arith.constant 16 : index
    %get3A_398 = tpu.vector_load %arg15[%get3A_397] {strides = array<i32>} : memref<160xf32, #tpu.memory_space<vmem>>, vector<16xf32>,
    %select_n3A_399 = arith.select %lt3A_277, %get3A_398, %broadcast_in_dim3A_7 : vector<16xi1>, vector<16xf32>
    %mul3A_400 = arith.mulf %gather3A_396, %add3A_377 : vector<16xf32>
    %div3A_401 = arith.divf %mul3A_400, %select_n3A_399 : vector<16xf32>
    %swap3A_402 = arith.constant 16 : index
    %swap3A_403 = tpu.vector_load %arg16[%swap3A_402] {strides = array<i32>} : memref<160xf32, #tpu.memory_space<vmem>>, vector<16xf32>,
    tpu.vector_store %arg16[%swap3A_402], %div3A_401 {strides = array<i32>} : memref<160xf32, #tpu.memory_space<vmem>>, vector<16xf32>,
    %mul3A_404 = arith.constant 10 : i32
    %mul3A_405 = vector.broadcast %mul3A_404 : i32 to vector<16xi32>
    %mul3A_406 = arith.muli %iota3A, %mul3A_405 : vector<16xi32>
    %add3A_407 = arith.constant 2 : i32
    %add3A_408 = vector.broadcast %add3A_407 : i32 to vector<16xi32>
    %add3A_409 = arith.addi %mul3A_406, %add3A_408 : vector<16xi32>
    %gather3A_410 = tpu.vector_load_idx %arg14[%add3A_409] masked %lt3A_277 : memref<100xf32, #tpu.memory_space<vmem>>[vector<16xi32>], vector<16xf32>, vector<16xi1>
    %get3A_411 = arith.constant 32 : index
    %get3A_412 = tpu.vector_load %arg15[%get3A_411] {strides = array<i32>} : memref<160xf32, #tpu.memory_space<vmem>>, vector<16xf32>,
    %select_n3A_413 = arith.select %lt3A_277, %get3A_412, %broadcast_in_dim3A_7 : vector<16xi1>, vector<16xf32>
    %mul3A_414 = arith.mulf %gather3A_410, %add3A_377 : vector<16xf32>
    %div3A_415 = arith.divf %mul3A_414, %select_n3A_413 : vector<16xf32>
    %swap3A_416 = arith.constant 32 : index
    %swap3A_417 = tpu.vector_load %arg16[%swap3A_416] {strides = array<i32>} : memref<160xf32, #tpu.memory_space<vmem>>, vector<16xf32>,
    tpu.vector_store %arg16[%swap3A_416], %div3A_415 {strides = array<i32>} : memref<160xf32, #tpu.memory_space<vmem>>, vector<16xf32>,
    %mul3A_418 = arith.constant 10 : i32
    %mul3A_419 = vector.broadcast %mul3A_418 : i32 to vector<16xi32>
    %mul3A_420 = arith.muli %iota3A, %mul3A_419 : vector<16xi32>
    %add3A_421 = arith.constant 3 : i32
    %add3A_422 = vector.broadcast %add3A_421 : i32 to vector<16xi32>
    %add3A_423 = arith.addi %mul3A_420, %add3A_422 : vector<16xi32>
    %gather3A_424 = tpu.vector_load_idx %arg14[%add3A_423] masked %lt3A_277 : memref<100xf32, #tpu.memory_space<vmem>>[vector<16xi32>], vector<16xf32>, vector<16xi1>
    %get3A_425 = arith.constant 48 : index
    %get3A_426 = tpu.vector_load %arg15[%get3A_425] {strides = array<i32>} : memref<160xf32, #tpu.memory_space<vmem>>, vector<16xf32>,
    %select_n3A_427 = arith.select %lt3A_277, %get3A_426, %broadcast_in_dim3A_7 : vector<16xi1>, vector<16xf32>
    %mul3A_428 = arith.mulf %gather3A_424, %add3A_377 : vector<16xf32>
    %div3A_429 = arith.divf %mul3A_428, %select_n3A_427 : vector<16xf32>
    %swap3A_430 = arith.constant 48 : index
    %swap3A_431 = tpu.vector_load %arg16[%swap3A_430] {strides = array<i32>} : memref<160xf32, #tpu.memory_space<vmem>>, vector<16xf32>,
    tpu.vector_store %arg16[%swap3A_430], %div3A_429 {strides = array<i32>} : memref<160xf32, #tpu.memory_space<vmem>>, vector<16xf32>,
    %mul3A_432 = arith.constant 10 : i32
    %mul3A_433 = vector.broadcast %mul3A_432 : i32 to vector<16xi32>
    %mul3A_434 = arith.muli %iota3A, %mul3A_433 : vector<16xi32>
    %add3A_435 = arith.constant 4 : i32
    %add3A_436 = vector.broadcast %add3A_435 : i32 to vector<16xi32>
    %add3A_437 = arith.addi %mul3A_434, %add3A_436 : vector<16xi32>
    %gather3A_438 = tpu.vector_load_idx %arg14[%add3A_437] masked %lt3A_277 : memref<100xf32, #tpu.memory_space<vmem>>[vector<16xi32>], vector<16xf32>, vector<16xi1>
    %get3A_439 = arith.constant 64 : index
    %get3A_440 = tpu.vector_load %arg15[%get3A_439] {strides = array<i32>} : memref<160xf32, #tpu.memory_space<vmem>>, vector<16xf32>,
    %select_n3A_441 = arith.select %lt3A_277, %get3A_440, %broadcast_in_dim3A_7 : vector<16xi1>, vector<16xf32>
    %mul3A_442 = arith.mulf %gather3A_438, %add3A_377 : vector<16xf32>
    %div3A_443 = arith.divf %mul3A_442, %select_n3A_441 : vector<16xf32>
    %swap3A_444 = arith.constant 64 : index
    %swap3A_445 = tpu.vector_load %arg16[%swap3A_444] {strides = array<i32>} : memref<160xf32, #tpu.memory_space<vmem>>, vector<16xf32>,
    tpu.vector_store %arg16[%swap3A_444], %div3A_443 {strides = array<i32>} : memref<160xf32, #tpu.memory_space<vmem>>, vector<16xf32>,
    %mul3A_446 = arith.constant 10 : i32
    %mul3A_447 = vector.broadcast %mul3A_446 : i32 to vector<16xi32>
    %mul3A_448 = arith.muli %iota3A, %mul3A_447 : vector<16xi32>
    %add3A_449 = arith.constant 5 : i32
    %add3A_450 = vector.broadcast %add3A_449 : i32 to vector<16xi32>
    %add3A_451 = arith.addi %mul3A_448, %add3A_450 : vector<16xi32>
    %gather3A_452 = tpu.vector_load_idx %arg14[%add3A_451] masked %lt3A_277 : memref<100xf32, #tpu.memory_space<vmem>>[vector<16xi32>], vector<16xf32>, vector<16xi1>
    %get3A_453 = arith.constant 80 : index
    %get3A_454 = tpu.vector_load %arg15[%get3A_453] {strides = array<i32>} : memref<160xf32, #tpu.memory_space<vmem>>, vector<16xf32>,
    %select_n3A_455 = arith.select %lt3A_277, %get3A_454, %broadcast_in_dim3A_7 : vector<16xi1>, vector<16xf32>
    %mul3A_456 = arith.mulf %gather3A_452, %add3A_377 : vector<16xf32>
    %div3A_457 = arith.divf %mul3A_456, %select_n3A_455 : vector<16xf32>
    %swap3A_458 = arith.constant 80 : index
    %swap3A_459 = tpu.vector_load %arg16[%swap3A_458] {strides = array<i32>} : memref<160xf32, #tpu.memory_space<vmem>>, vector<16xf32>,
    tpu.vector_store %arg16[%swap3A_458], %div3A_457 {strides = array<i32>} : memref<160xf32, #tpu.memory_space<vmem>>, vector<16xf32>,
    %mul3A_460 = arith.constant 10 : i32
    %mul3A_461 = vector.broadcast %mul3A_460 : i32 to vector<16xi32>
    %mul3A_462 = arith.muli %iota3A, %mul3A_461 : vector<16xi32>
    %add3A_463 = arith.constant 6 : i32
    %add3A_464 = vector.broadcast %add3A_463 : i32 to vector<16xi32>
    %add3A_465 = arith.addi %mul3A_462, %add3A_464 : vector<16xi32>
    %gather3A_466 = tpu.vector_load_idx %arg14[%add3A_465] masked %lt3A_277 : memref<100xf32, #tpu.memory_space<vmem>>[vector<16xi32>], vector<16xf32>, vector<16xi1>
    %get3A_467 = arith.constant 96 : index
    %get3A_468 = tpu.vector_load %arg15[%get3A_467] {strides = array<i32>} : memref<160xf32, #tpu.memory_space<vmem>>, vector<16xf32>,
    %select_n3A_469 = arith.select %lt3A_277, %get3A_468, %broadcast_in_dim3A_7 : vector<16xi1>, vector<16xf32>
    %mul3A_470 = arith.mulf %gather3A_466, %add3A_377 : vector<16xf32>
    %div3A_471 = arith.divf %mul3A_470, %select_n3A_469 : vector<16xf32>
    %swap3A_472 = arith.constant 96 : index
    %swap3A_473 = tpu.vector_load %arg16[%swap3A_472] {strides = array<i32>} : memref<160xf32, #tpu.memory_space<vmem>>, vector<16xf32>,
    tpu.vector_store %arg16[%swap3A_472], %div3A_471 {strides = array<i32>} : memref<160xf32, #tpu.memory_space<vmem>>, vector<16xf32>,
    %mul3A_474 = arith.constant 10 : i32
    %mul3A_475 = vector.broadcast %mul3A_474 : i32 to vector<16xi32>
    %mul3A_476 = arith.muli %iota3A, %mul3A_475 : vector<16xi32>
    %add3A_477 = arith.constant 7 : i32
    %add3A_478 = vector.broadcast %add3A_477 : i32 to vector<16xi32>
    %add3A_479 = arith.addi %mul3A_476, %add3A_478 : vector<16xi32>
    %gather3A_480 = tpu.vector_load_idx %arg14[%add3A_479] masked %lt3A_277 : memref<100xf32, #tpu.memory_space<vmem>>[vector<16xi32>], vector<16xf32>, vector<16xi1>
    %get3A_481 = arith.constant 112 : index
    %get3A_482 = tpu.vector_load %arg15[%get3A_481] {strides = array<i32>} : memref<160xf32, #tpu.memory_space<vmem>>, vector<16xf32>,
    %select_n3A_483 = arith.select %lt3A_277, %get3A_482, %broadcast_in_dim3A_7 : vector<16xi1>, vector<16xf32>
    %mul3A_484 = arith.mulf %gather3A_480, %add3A_377 : vector<16xf32>
    %div3A_485 = arith.divf %mul3A_484, %select_n3A_483 : vector<16xf32>
    %swap3A_486 = arith.constant 112 : index
    %swap3A_487 = tpu.vector_load %arg16[%swap3A_486] {strides = array<i32>} : memref<160xf32, #tpu.memory_space<vmem>>, vector<16xf32>,
    tpu.vector_store %arg16[%swap3A_486], %div3A_485 {strides = array<i32>} : memref<160xf32, #tpu.memory_space<vmem>>, vector<16xf32>,
    %mul3A_488 = arith.constant 10 : i32
    %mul3A_489 = vector.broadcast %mul3A_488 : i32 to vector<16xi32>
    %mul3A_490 = arith.muli %iota3A, %mul3A_489 : vector<16xi32>
    %add3A_491 = arith.constant 8 : i32
    %add3A_492 = vector.broadcast %add3A_491 : i32 to vector<16xi32>
    %add3A_493 = arith.addi %mul3A_490, %add3A_492 : vector<16xi32>
    %gather3A_494 = tpu.vector_load_idx %arg14[%add3A_493] masked %lt3A_277 : memref<100xf32, #tpu.memory_space<vmem>>[vector<16xi32>], vector<16xf32>, vector<16xi1>
    %get3A_495 = arith.constant 128 : index
    %get3A_496 = tpu.vector_load %arg15[%get3A_495] {strides = array<i32>} : memref<160xf32, #tpu.memory_space<vmem>>, vector<16xf32>,
    %select_n3A_497 = arith.select %lt3A_277, %get3A_496, %broadcast_in_dim3A_7 : vector<16xi1>, vector<16xf32>
    %mul3A_498 = arith.mulf %gather3A_494, %add3A_377 : vector<16xf32>
    %div3A_499 = arith.divf %mul3A_498, %select_n3A_497 : vector<16xf32>
    %swap3A_500 = arith.constant 128 : index
    %swap3A_501 = tpu.vector_load %arg16[%swap3A_500] {strides = array<i32>} : memref<160xf32, #tpu.memory_space<vmem>>, vector<16xf32>,
    tpu.vector_store %arg16[%swap3A_500], %div3A_499 {strides = array<i32>} : memref<160xf32, #tpu.memory_space<vmem>>, vector<16xf32>,
    %mul3A_502 = arith.constant 10 : i32
    %mul3A_503 = vector.broadcast %mul3A_502 : i32 to vector<16xi32>
    %mul3A_504 = arith.muli %iota3A, %mul3A_503 : vector<16xi32>
    %add3A_505 = arith.constant 9 : i32
    %add3A_506 = vector.broadcast %add3A_505 : i32 to vector<16xi32>
    %add3A_507 = arith.addi %mul3A_504, %add3A_506 : vector<16xi32>
    %gather3A_508 = tpu.vector_load_idx %arg14[%add3A_507] masked %lt3A_277 : memref<100xf32, #tpu.memory_space<vmem>>[vector<16xi32>], vector<16xf32>, vector<16xi1>
    %get3A_509 = arith.constant 144 : index
    %get3A_510 = tpu.vector_load %arg15[%get3A_509] {strides = array<i32>} : memref<160xf32, #tpu.memory_space<vmem>>, vector<16xf32>,
    %select_n3A_511 = arith.select %lt3A_277, %get3A_510, %broadcast_in_dim3A_7 : vector<16xi1>, vector<16xf32>
    %mul3A_512 = arith.mulf %gather3A_508, %add3A_377 : vector<16xf32>
    %div3A_513 = arith.divf %mul3A_512, %select_n3A_511 : vector<16xf32>
    %swap3A_514 = arith.constant 144 : index
    %swap3A_515 = tpu.vector_load %arg16[%swap3A_514] {strides = array<i32>} : memref<160xf32, #tpu.memory_space<vmem>>, vector<16xf32>,
    tpu.vector_store %arg16[%swap3A_514], %div3A_513 {strides = array<i32>} : memref<160xf32, #tpu.memory_space<vmem>>, vector<16xf32>,
    %get3A_516 = arith.constant 16 : index
    %get3A_517 = tpu.vector_load %arg17[%get3A_516] {strides = array<i32>} : memref<32xf32, #tpu.memory_space<vmem>>, vector<16xf32>,
    %reduce_max3A = arith.constant true
    %reduce_max3A_518 = vector.broadcast %reduce_max3A : i1 to vector<16xi1>
    %reduce_max3A_519 = tpu.scan <max>, %get3A_517 masked %reduce_max3A_518 : vector<16xf32>, vector<16xi1> -> vector<16xf32>
    %reduce_max3A_520 = vector.extract %reduce_max3A_519[15] : f32 from vector<16xf32>
    %div3A_521 = vector.broadcast %reduce_max3A_520 : f32 to vector<16xf32>
    %div3A_522 = arith.divf %get3A_517, %div3A_521 : vector<16xf32>
    %sub3A = arith.constant 2.000000e+00 : f32
    %sub3A_523 = vector.broadcast %sub3A : f32 to vector<16xf32>
    %sub3A_524 = arith.subf %sub3A_523, %div3A_522 : vector<16xf32>
    %div3A_525 = arith.divf %div3A_522, %sub3A_524 : vector<16xf32>
    %mul3A_526 = arith.constant 0.949999988 : f32
    %mul3A_527 = vector.broadcast %mul3A_526 : f32 to vector<16xf32>
    %mul3A_528 = arith.mulf %div3A_525, %mul3A_527 : vector<16xf32>
    %swap3A_529 = arith.constant 16 : index
    %swap3A_530 = tpu.vector_load %arg17[%swap3A_529] {strides = array<i32>} : memref<32xf32, #tpu.memory_space<vmem>>, vector<16xf32>,
    tpu.vector_store %arg17[%swap3A_529], %mul3A_528 {strides = array<i32>} : memref<32xf32, #tpu.memory_space<vmem>>, vector<16xf32>,
    %scan3A = arith.constant 0 : i32
    %scan3A_531 = arith.constant 32 : i32
    %scan3A_532 = arith.addi %scan3A, %scan3A_531 : i32
    %scan3A_533 = arith.constant 1 : i32
    %scan3A_534 = scf.for %scan3A_541 = %scan3A to %scan3A_532 step %scan3A_533 iter_args(%scan3A_542 = %broadcast_in_dim3A_9) -> (vector<16xf32>)  : i32 {
      %mul3A_543 = arith.constant 16 : i32
      %mul3A_544 = arith.muli %scan3A_541, %mul3A_543 : i32
      %add3A_545 = vector.broadcast %mul3A_544 : i32 to vector<16xi32>
      %add3A_546 = arith.addi %iota3A, %add3A_545 : vector<16xi32>
      %mul3A_547 = arith.constant 10 : i32
      %mul3A_548 = vector.broadcast %mul3A_547 : i32 to vector<16xi32>
      %mul3A_549 = arith.muli %add3A_546, %mul3A_548 : vector<16xi32>
      %gather3A_550 = tpu.vector_load_idx %arg11[%add3A_546] : memref<512xi32, #tpu.memory_space<vmem>>[vector<16xi32>], vector<16xi32>,
      %mul3A_551 = arith.constant 16 : i32
      %mul3A_552 = vector.broadcast %mul3A_551 : i32 to vector<16xi32>
      %mul3A_553 = arith.muli %gather3A_550, %mul3A_552 : vector<16xi32>
      %broadcast_in_dim3A_554 = arith.constant -3.400000e+38 : f32
      %broadcast_in_dim3A_555 = vector.broadcast %broadcast_in_dim3A_554 : f32 to vector<16xf32>
      %broadcast_in_dim3A_556 = arith.constant 0 : i32
      %broadcast_in_dim3A_557 = vector.broadcast %broadcast_in_dim3A_556 : i32 to vector<16xi32>
      %add3A_558 = arith.constant 0 : i32
      %add3A_559 = vector.broadcast %add3A_558 : i32 to vector<16xi32>
      %add3A_560 = arith.addi %mul3A_549, %add3A_559 : vector<16xi32>
      %gather3A_561 = tpu.vector_load_idx %arg10[%add3A_560] : memref<5120xf32, #tpu.memory_space<vmem>>[vector<16xi32>], vector<16xf32>,
      %add3A_562 = arith.constant 0 : i32
      %add3A_563 = vector.broadcast %add3A_562 : i32 to vector<16xi32>
      %add3A_564 = arith.addi %mul3A_553, %add3A_563 : vector<16xi32>
      %gather3A_565 = tpu.vector_load_idx %arg16[%add3A_564] : memref<160xf32, #tpu.memory_space<vmem>>[vector<16xi32>], vector<16xf32>,
      %mul3A_566 = arith.constant 2.000000e+00 : f32
      %mul3A_567 = vector.broadcast %mul3A_566 : f32 to vector<16xf32>
      %mul3A_568 = arith.mulf %gather3A_561, %mul3A_567 : vector<16xf32>
      %exp3A = math.exp %mul3A_568 : vector<16xf32>
      %mul3A_569 = arith.mulf %exp3A, %gather3A_565 : vector<16xf32>
      %add3A_570 = arith.addf %broadcast_in_dim3A_9, %mul3A_569 : vector<16xf32>
      %gt3A = arith.cmpf ogt, %mul3A_569, %broadcast_in_dim3A_555 : vector<16xf32>
      %select_n3A_571 = arith.select %gt3A, %mul3A_569, %broadcast_in_dim3A_555 : vector<16xi1>, vector<16xf32>
      %broadcast_in_dim3A_572 = arith.constant 0 : i32
      %broadcast_in_dim3A_573 = vector.broadcast %broadcast_in_dim3A_572 : i32 to vector<16xi32>
      %select_n3A_574 = arith.select %gt3A, %broadcast_in_dim3A_573, %broadcast_in_dim3A_557 : vector<16xi1>, vector<16xi32>
      %add3A_575 = arith.constant 0 : i32
      %add3A_576 = vector.broadcast %add3A_575 : i32 to vector<16xi32>
      %add3A_577 = arith.addi %mul3A_549, %add3A_576 : vector<16xi32>
      %gather3A_578 = tpu.vector_load_idx %arg9[%add3A_577] : memref<5120xf32, #tpu.memory_space<vmem>>[vector<16xi32>], vector<16xf32>,
      %exp3A_579 = math.exp %gather3A_578 : vector<16xf32>
      %add3A_580 = arith.addf %broadcast_in_dim3A_9, %exp3A_579 : vector<16xf32>
      %add3A_581 = arith.constant 1 : i32
      %add3A_582 = vector.broadcast %add3A_581 : i32 to vector<16xi32>
      %add3A_583 = arith.addi %mul3A_549, %add3A_582 : vector<16xi32>
      %gather3A_584 = tpu.vector_load_idx %arg10[%add3A_583] : memref<5120xf32, #tpu.memory_space<vmem>>[vector<16xi32>], vector<16xf32>,
      %add3A_585 = arith.constant 1 : i32
      %add3A_586 = vector.broadcast %add3A_585 : i32 to vector<16xi32>
      %add3A_587 = arith.addi %mul3A_553, %add3A_586 : vector<16xi32>
      %gather3A_588 = tpu.vector_load_idx %arg16[%add3A_587] : memref<160xf32, #tpu.memory_space<vmem>>[vector<16xi32>], vector<16xf32>,
      %mul3A_589 = arith.constant 2.000000e+00 : f32
      %mul3A_590 = vector.broadcast %mul3A_589 : f32 to vector<16xf32>
      %mul3A_591 = arith.mulf %gather3A_584, %mul3A_590 : vector<16xf32>
      %exp3A_592 = math.exp %mul3A_591 : vector<16xf32>
      %mul3A_593 = arith.mulf %exp3A_592, %gather3A_588 : vector<16xf32>
      %add3A_594 = arith.addf %add3A_570, %mul3A_593 : vector<16xf32>
      %gt3A_595 = arith.cmpf ogt, %mul3A_593, %select_n3A_571 : vector<16xf32>
      %select_n3A_596 = arith.select %gt3A_595, %mul3A_593, %select_n3A_571 : vector<16xi1>, vector<16xf32>
      %broadcast_in_dim3A_597 = arith.constant 1 : i32
      %broadcast_in_dim3A_598 = vector.broadcast %broadcast_in_dim3A_597 : i32 to vector<16xi32>
      %select_n3A_599 = arith.select %gt3A_595, %broadcast_in_dim3A_598, %select_n3A_574 : vector<16xi1>, vector<16xi32>
      %add3A_600 = arith.constant 1 : i32
      %add3A_601 = vector.broadcast %add3A_600 : i32 to vector<16xi32>
      %add3A_602 = arith.addi %mul3A_549, %add3A_601 : vector<16xi32>
      %gather3A_603 = tpu.vector_load_idx %arg9[%add3A_602] : memref<5120xf32, #tpu.memory_space<vmem>>[vector<16xi32>], vector<16xf32>,
      %exp3A_604 = math.exp %gather3A_603 : vector<16xf32>
      %add3A_605 = arith.addf %add3A_580, %exp3A_604 : vector<16xf32>
      %add3A_606 = arith.constant 2 : i32
      %add3A_607 = vector.broadcast %add3A_606 : i32 to vector<16xi32>
      %add3A_608 = arith.addi %mul3A_549, %add3A_607 : vector<16xi32>
      %gather3A_609 = tpu.vector_load_idx %arg10[%add3A_608] : memref<5120xf32, #tpu.memory_space<vmem>>[vector<16xi32>], vector<16xf32>,
      %add3A_610 = arith.constant 2 : i32
      %add3A_611 = vector.broadcast %add3A_610 : i32 to vector<16xi32>
      %add3A_612 = arith.addi %mul3A_553, %add3A_611 : vector<16xi32>
      %gather3A_613 = tpu.vector_load_idx %arg16[%add3A_612] : memref<160xf32, #tpu.memory_space<vmem>>[vector<16xi32>], vector<16xf32>,
      %mul3A_614 = arith.constant 2.000000e+00 : f32
      %mul3A_615 = vector.broadcast %mul3A_614 : f32 to vector<16xf32>
      %mul3A_616 = arith.mulf %gather3A_609, %mul3A_615 : vector<16xf32>
      %exp3A_617 = math.exp %mul3A_616 : vector<16xf32>
      %mul3A_618 = arith.mulf %exp3A_617, %gather3A_613 : vector<16xf32>
      %add3A_619 = arith.addf %add3A_594, %mul3A_618 : vector<16xf32>
      %gt3A_620 = arith.cmpf ogt, %mul3A_618, %select_n3A_596 : vector<16xf32>
      %select_n3A_621 = arith.select %gt3A_620, %mul3A_618, %select_n3A_596 : vector<16xi1>, vector<16xf32>
      %broadcast_in_dim3A_622 = arith.constant 2 : i32
      %broadcast_in_dim3A_623 = vector.broadcast %broadcast_in_dim3A_622 : i32 to vector<16xi32>
      %select_n3A_624 = arith.select %gt3A_620, %broadcast_in_dim3A_623, %select_n3A_599 : vector<16xi1>, vector<16xi32>
      %add3A_625 = arith.constant 2 : i32
      %add3A_626 = vector.broadcast %add3A_625 : i32 to vector<16xi32>
      %add3A_627 = arith.addi %mul3A_549, %add3A_626 : vector<16xi32>
      %gather3A_628 = tpu.vector_load_idx %arg9[%add3A_627] : memref<5120xf32, #tpu.memory_space<vmem>>[vector<16xi32>], vector<16xf32>,
      %exp3A_629 = math.exp %gather3A_628 : vector<16xf32>
      %add3A_630 = arith.addf %add3A_605, %exp3A_629 : vector<16xf32>
      %add3A_631 = arith.constant 3 : i32
      %add3A_632 = vector.broadcast %add3A_631 : i32 to vector<16xi32>
      %add3A_633 = arith.addi %mul3A_549, %add3A_632 : vector<16xi32>
      %gather3A_634 = tpu.vector_load_idx %arg10[%add3A_633] : memref<5120xf32, #tpu.memory_space<vmem>>[vector<16xi32>], vector<16xf32>,
      %add3A_635 = arith.constant 3 : i32
      %add3A_636 = vector.broadcast %add3A_635 : i32 to vector<16xi32>
      %add3A_637 = arith.addi %mul3A_553, %add3A_636 : vector<16xi32>
      %gather3A_638 = tpu.vector_load_idx %arg16[%add3A_637] : memref<160xf32, #tpu.memory_space<vmem>>[vector<16xi32>], vector<16xf32>,
      %mul3A_639 = arith.constant 2.000000e+00 : f32
      %mul3A_640 = vector.broadcast %mul3A_639 : f32 to vector<16xf32>
      %mul3A_641 = arith.mulf %gather3A_634, %mul3A_640 : vector<16xf32>
      %exp3A_642 = math.exp %mul3A_641 : vector<16xf32>
      %mul3A_643 = arith.mulf %exp3A_642, %gather3A_638 : vector<16xf32>
      %add3A_644 = arith.addf %add3A_619, %mul3A_643 : vector<16xf32>
      %gt3A_645 = arith.cmpf ogt, %mul3A_643, %select_n3A_621 : vector<16xf32>
      %select_n3A_646 = arith.select %gt3A_645, %mul3A_643, %select_n3A_621 : vector<16xi1>, vector<16xf32>
      %broadcast_in_dim3A_647 = arith.constant 3 : i32
      %broadcast_in_dim3A_648 = vector.broadcast %broadcast_in_dim3A_647 : i32 to vector<16xi32>
      %select_n3A_649 = arith.select %gt3A_645, %broadcast_in_dim3A_648, %select_n3A_624 : vector<16xi1>, vector<16xi32>
      %add3A_650 = arith.constant 3 : i32
      %add3A_651 = vector.broadcast %add3A_650 : i32 to vector<16xi32>
      %add3A_652 = arith.addi %mul3A_549, %add3A_651 : vector<16xi32>
      %gather3A_653 = tpu.vector_load_idx %arg9[%add3A_652] : memref<5120xf32, #tpu.memory_space<vmem>>[vector<16xi32>], vector<16xf32>,
      %exp3A_654 = math.exp %gather3A_653 : vector<16xf32>
      %add3A_655 = arith.addf %add3A_630, %exp3A_654 : vector<16xf32>
      %add3A_656 = arith.constant 4 : i32
      %add3A_657 = vector.broadcast %add3A_656 : i32 to vector<16xi32>
      %add3A_658 = arith.addi %mul3A_549, %add3A_657 : vector<16xi32>
      %gather3A_659 = tpu.vector_load_idx %arg10[%add3A_658] : memref<5120xf32, #tpu.memory_space<vmem>>[vector<16xi32>], vector<16xf32>,
      %add3A_660 = arith.constant 4 : i32
      %add3A_661 = vector.broadcast %add3A_660 : i32 to vector<16xi32>
      %add3A_662 = arith.addi %mul3A_553, %add3A_661 : vector<16xi32>
      %gather3A_663 = tpu.vector_load_idx %arg16[%add3A_662] : memref<160xf32, #tpu.memory_space<vmem>>[vector<16xi32>], vector<16xf32>,
      %mul3A_664 = arith.constant 2.000000e+00 : f32
      %mul3A_665 = vector.broadcast %mul3A_664 : f32 to vector<16xf32>
      %mul3A_666 = arith.mulf %gather3A_659, %mul3A_665 : vector<16xf32>
      %exp3A_667 = math.exp %mul3A_666 : vector<16xf32>
      %mul3A_668 = arith.mulf %exp3A_667, %gather3A_663 : vector<16xf32>
      %add3A_669 = arith.addf %add3A_644, %mul3A_668 : vector<16xf32>
      %gt3A_670 = arith.cmpf ogt, %mul3A_668, %select_n3A_646 : vector<16xf32>
      %select_n3A_671 = arith.select %gt3A_670, %mul3A_668, %select_n3A_646 : vector<16xi1>, vector<16xf32>
      %broadcast_in_dim3A_672 = arith.constant 4 : i32
      %broadcast_in_dim3A_673 = vector.broadcast %broadcast_in_dim3A_672 : i32 to vector<16xi32>
      %select_n3A_674 = arith.select %gt3A_670, %broadcast_in_dim3A_673, %select_n3A_649 : vector<16xi1>, vector<16xi32>
      %add3A_675 = arith.constant 4 : i32
      %add3A_676 = vector.broadcast %add3A_675 : i32 to vector<16xi32>
      %add3A_677 = arith.addi %mul3A_549, %add3A_676 : vector<16xi32>
      %gather3A_678 = tpu.vector_load_idx %arg9[%add3A_677] : memref<5120xf32, #tpu.memory_space<vmem>>[vector<16xi32>], vector<16xf32>,
      %exp3A_679 = math.exp %gather3A_678 : vector<16xf32>
      %add3A_680 = arith.addf %add3A_655, %exp3A_679 : vector<16xf32>
      %add3A_681 = arith.constant 5 : i32
      %add3A_682 = vector.broadcast %add3A_681 : i32 to vector<16xi32>
      %add3A_683 = arith.addi %mul3A_549, %add3A_682 : vector<16xi32>
      %gather3A_684 = tpu.vector_load_idx %arg10[%add3A_683] : memref<5120xf32, #tpu.memory_space<vmem>>[vector<16xi32>], vector<16xf32>,
      %add3A_685 = arith.constant 5 : i32
      %add3A_686 = vector.broadcast %add3A_685 : i32 to vector<16xi32>
      %add3A_687 = arith.addi %mul3A_553, %add3A_686 : vector<16xi32>
      %gather3A_688 = tpu.vector_load_idx %arg16[%add3A_687] : memref<160xf32, #tpu.memory_space<vmem>>[vector<16xi32>], vector<16xf32>,
      %mul3A_689 = arith.constant 2.000000e+00 : f32
      %mul3A_690 = vector.broadcast %mul3A_689 : f32 to vector<16xf32>
      %mul3A_691 = arith.mulf %gather3A_684, %mul3A_690 : vector<16xf32>
      %exp3A_692 = math.exp %mul3A_691 : vector<16xf32>
      %mul3A_693 = arith.mulf %exp3A_692, %gather3A_688 : vector<16xf32>
      %add3A_694 = arith.addf %add3A_669, %mul3A_693 : vector<16xf32>
      %gt3A_695 = arith.cmpf ogt, %mul3A_693, %select_n3A_671 : vector<16xf32>
      %select_n3A_696 = arith.select %gt3A_695, %mul3A_693, %select_n3A_671 : vector<16xi1>, vector<16xf32>
      %broadcast_in_dim3A_697 = arith.constant 5 : i32
      %broadcast_in_dim3A_698 = vector.broadcast %broadcast_in_dim3A_697 : i32 to vector<16xi32>
      %select_n3A_699 = arith.select %gt3A_695, %broadcast_in_dim3A_698, %select_n3A_674 : vector<16xi1>, vector<16xi32>
      %add3A_700 = arith.constant 5 : i32
      %add3A_701 = vector.broadcast %add3A_700 : i32 to vector<16xi32>
      %add3A_702 = arith.addi %mul3A_549, %add3A_701 : vector<16xi32>
      %gather3A_703 = tpu.vector_load_idx %arg9[%add3A_702] : memref<5120xf32, #tpu.memory_space<vmem>>[vector<16xi32>], vector<16xf32>,
      %exp3A_704 = math.exp %gather3A_703 : vector<16xf32>
      %add3A_705 = arith.addf %add3A_680, %exp3A_704 : vector<16xf32>
      %add3A_706 = arith.constant 6 : i32
      %add3A_707 = vector.broadcast %add3A_706 : i32 to vector<16xi32>
      %add3A_708 = arith.addi %mul3A_549, %add3A_707 : vector<16xi32>
      %gather3A_709 = tpu.vector_load_idx %arg10[%add3A_708] : memref<5120xf32, #tpu.memory_space<vmem>>[vector<16xi32>], vector<16xf32>,
      %add3A_710 = arith.constant 6 : i32
      %add3A_711 = vector.broadcast %add3A_710 : i32 to vector<16xi32>
      %add3A_712 = arith.addi %mul3A_553, %add3A_711 : vector<16xi32>
      %gather3A_713 = tpu.vector_load_idx %arg16[%add3A_712] : memref<160xf32, #tpu.memory_space<vmem>>[vector<16xi32>], vector<16xf32>,
      %mul3A_714 = arith.constant 2.000000e+00 : f32
      %mul3A_715 = vector.broadcast %mul3A_714 : f32 to vector<16xf32>
      %mul3A_716 = arith.mulf %gather3A_709, %mul3A_715 : vector<16xf32>
      %exp3A_717 = math.exp %mul3A_716 : vector<16xf32>
      %mul3A_718 = arith.mulf %exp3A_717, %gather3A_713 : vector<16xf32>
      %add3A_719 = arith.addf %add3A_694, %mul3A_718 : vector<16xf32>
      %gt3A_720 = arith.cmpf ogt, %mul3A_718, %select_n3A_696 : vector<16xf32>
      %select_n3A_721 = arith.select %gt3A_720, %mul3A_718, %select_n3A_696 : vector<16xi1>, vector<16xf32>
      %broadcast_in_dim3A_722 = arith.constant 6 : i32
      %broadcast_in_dim3A_723 = vector.broadcast %broadcast_in_dim3A_722 : i32 to vector<16xi32>
      %select_n3A_724 = arith.select %gt3A_720, %broadcast_in_dim3A_723, %select_n3A_699 : vector<16xi1>, vector<16xi32>
      %add3A_725 = arith.constant 6 : i32
      %add3A_726 = vector.broadcast %add3A_725 : i32 to vector<16xi32>
      %add3A_727 = arith.addi %mul3A_549, %add3A_726 : vector<16xi32>
      %gather3A_728 = tpu.vector_load_idx %arg9[%add3A_727] : memref<5120xf32, #tpu.memory_space<vmem>>[vector<16xi32>], vector<16xf32>,
      %exp3A_729 = math.exp %gather3A_728 : vector<16xf32>
      %add3A_730 = arith.addf %add3A_705, %exp3A_729 : vector<16xf32>
      %add3A_731 = arith.constant 7 : i32
      %add3A_732 = vector.broadcast %add3A_731 : i32 to vector<16xi32>
      %add3A_733 = arith.addi %mul3A_549, %add3A_732 : vector<16xi32>
      %gather3A_734 = tpu.vector_load_idx %arg10[%add3A_733] : memref<5120xf32, #tpu.memory_space<vmem>>[vector<16xi32>], vector<16xf32>,
      %add3A_735 = arith.constant 7 : i32
      %add3A_736 = vector.broadcast %add3A_735 : i32 to vector<16xi32>
      %add3A_737 = arith.addi %mul3A_553, %add3A_736 : vector<16xi32>
      %gather3A_738 = tpu.vector_load_idx %arg16[%add3A_737] : memref<160xf32, #tpu.memory_space<vmem>>[vector<16xi32>], vector<16xf32>,
      %mul3A_739 = arith.constant 2.000000e+00 : f32
      %mul3A_740 = vector.broadcast %mul3A_739 : f32 to vector<16xf32>
      %mul3A_741 = arith.mulf %gather3A_734, %mul3A_740 : vector<16xf32>
      %exp3A_742 = math.exp %mul3A_741 : vector<16xf32>
      %mul3A_743 = arith.mulf %exp3A_742, %gather3A_738 : vector<16xf32>
      %add3A_744 = arith.addf %add3A_719, %mul3A_743 : vector<16xf32>
      %gt3A_745 = arith.cmpf ogt, %mul3A_743, %select_n3A_721 : vector<16xf32>
      %select_n3A_746 = arith.select %gt3A_745, %mul3A_743, %select_n3A_721 : vector<16xi1>, vector<16xf32>
      %broadcast_in_dim3A_747 = arith.constant 7 : i32
      %broadcast_in_dim3A_748 = vector.broadcast %broadcast_in_dim3A_747 : i32 to vector<16xi32>
      %select_n3A_749 = arith.select %gt3A_745, %broadcast_in_dim3A_748, %select_n3A_724 : vector<16xi1>, vector<16xi32>
      %add3A_750 = arith.constant 7 : i32
      %add3A_751 = vector.broadcast %add3A_750 : i32 to vector<16xi32>
      %add3A_752 = arith.addi %mul3A_549, %add3A_751 : vector<16xi32>
      %gather3A_753 = tpu.vector_load_idx %arg9[%add3A_752] : memref<5120xf32, #tpu.memory_space<vmem>>[vector<16xi32>], vector<16xf32>,
      %exp3A_754 = math.exp %gather3A_753 : vector<16xf32>
      %add3A_755 = arith.addf %add3A_730, %exp3A_754 : vector<16xf32>
      %add3A_756 = arith.constant 8 : i32
      %add3A_757 = vector.broadcast %add3A_756 : i32 to vector<16xi32>
      %add3A_758 = arith.addi %mul3A_549, %add3A_757 : vector<16xi32>
      %gather3A_759 = tpu.vector_load_idx %arg10[%add3A_758] : memref<5120xf32, #tpu.memory_space<vmem>>[vector<16xi32>], vector<16xf32>,
      %add3A_760 = arith.constant 8 : i32
      %add3A_761 = vector.broadcast %add3A_760 : i32 to vector<16xi32>
      %add3A_762 = arith.addi %mul3A_553, %add3A_761 : vector<16xi32>
      %gather3A_763 = tpu.vector_load_idx %arg16[%add3A_762] : memref<160xf32, #tpu.memory_space<vmem>>[vector<16xi32>], vector<16xf32>,
      %mul3A_764 = arith.constant 2.000000e+00 : f32
      %mul3A_765 = vector.broadcast %mul3A_764 : f32 to vector<16xf32>
      %mul3A_766 = arith.mulf %gather3A_759, %mul3A_765 : vector<16xf32>
      %exp3A_767 = math.exp %mul3A_766 : vector<16xf32>
      %mul3A_768 = arith.mulf %exp3A_767, %gather3A_763 : vector<16xf32>
      %add3A_769 = arith.addf %add3A_744, %mul3A_768 : vector<16xf32>
      %gt3A_770 = arith.cmpf ogt, %mul3A_768, %select_n3A_746 : vector<16xf32>
      %select_n3A_771 = arith.select %gt3A_770, %mul3A_768, %select_n3A_746 : vector<16xi1>, vector<16xf32>
      %broadcast_in_dim3A_772 = arith.constant 8 : i32
      %broadcast_in_dim3A_773 = vector.broadcast %broadcast_in_dim3A_772 : i32 to vector<16xi32>
      %select_n3A_774 = arith.select %gt3A_770, %broadcast_in_dim3A_773, %select_n3A_749 : vector<16xi1>, vector<16xi32>
      %add3A_775 = arith.constant 8 : i32
      %add3A_776 = vector.broadcast %add3A_775 : i32 to vector<16xi32>
      %add3A_777 = arith.addi %mul3A_549, %add3A_776 : vector<16xi32>
      %gather3A_778 = tpu.vector_load_idx %arg9[%add3A_777] : memref<5120xf32, #tpu.memory_space<vmem>>[vector<16xi32>], vector<16xf32>,
      %exp3A_779 = math.exp %gather3A_778 : vector<16xf32>
      %add3A_780 = arith.addf %add3A_755, %exp3A_779 : vector<16xf32>
      %add3A_781 = arith.constant 9 : i32
      %add3A_782 = vector.broadcast %add3A_781 : i32 to vector<16xi32>
      %add3A_783 = arith.addi %mul3A_549, %add3A_782 : vector<16xi32>
      %gather3A_784 = tpu.vector_load_idx %arg10[%add3A_783] : memref<5120xf32, #tpu.memory_space<vmem>>[vector<16xi32>], vector<16xf32>,
      %add3A_785 = arith.constant 9 : i32
      %add3A_786 = vector.broadcast %add3A_785 : i32 to vector<16xi32>
      %add3A_787 = arith.addi %mul3A_553, %add3A_786 : vector<16xi32>
      %gather3A_788 = tpu.vector_load_idx %arg16[%add3A_787] : memref<160xf32, #tpu.memory_space<vmem>>[vector<16xi32>], vector<16xf32>,
      %mul3A_789 = arith.constant 2.000000e+00 : f32
      %mul3A_790 = vector.broadcast %mul3A_789 : f32 to vector<16xf32>
      %mul3A_791 = arith.mulf %gather3A_784, %mul3A_790 : vector<16xf32>
      %exp3A_792 = math.exp %mul3A_791 : vector<16xf32>
      %mul3A_793 = arith.mulf %exp3A_792, %gather3A_788 : vector<16xf32>
      %add3A_794 = arith.addf %add3A_769, %mul3A_793 : vector<16xf32>
      %gt3A_795 = arith.cmpf ogt, %mul3A_793, %select_n3A_771 : vector<16xf32>
      %select_n3A_796 = arith.select %gt3A_795, %mul3A_793, %select_n3A_771 : vector<16xi1>, vector<16xf32>
      %broadcast_in_dim3A_797 = arith.constant 9 : i32
      %broadcast_in_dim3A_798 = vector.broadcast %broadcast_in_dim3A_797 : i32 to vector<16xi32>
      %select_n3A_799 = arith.select %gt3A_795, %broadcast_in_dim3A_798, %select_n3A_774 : vector<16xi1>, vector<16xi32>
      %add3A_800 = arith.constant 9 : i32
      %add3A_801 = vector.broadcast %add3A_800 : i32 to vector<16xi32>
      %add3A_802 = arith.addi %mul3A_549, %add3A_801 : vector<16xi32>
      %gather3A_803 = tpu.vector_load_idx %arg9[%add3A_802] : memref<5120xf32, #tpu.memory_space<vmem>>[vector<16xi32>], vector<16xf32>,
      %exp3A_804 = math.exp %gather3A_803 : vector<16xf32>
      %add3A_805 = arith.addf %add3A_780, %exp3A_804 : vector<16xf32>
      %add3A_806 = arith.addi %mul3A_549, %select_n3A_799 : vector<16xi32>
      %gather3A_807 = tpu.vector_load_idx %arg9[%add3A_806] : memref<5120xf32, #tpu.memory_space<vmem>>[vector<16xi32>], vector<16xf32>,
      %bitcast_convert_type3A = tpu.bitcast %add3A_805 : vector<16xf32> -> vector<16xi32>
      %shift_right_logical3A = arith.constant 23 : i32
      %shift_right_logical3A_808 = vector.broadcast %shift_right_logical3A : i32 to vector<16xi32>
      %shift_right_logical3A_809 = arith.shrui %bitcast_convert_type3A, %shift_right_logical3A_808 : vector<16xi32>
      %sub3A_810 = arith.constant 127 : i32
      %sub3A_811 = vector.broadcast %sub3A_810 : i32 to vector<16xi32>
      %sub3A_812 = arith.subi %shift_right_logical3A_809, %sub3A_811 : vector<16xi32>
      %and3A = arith.constant 8388607 : i32
      %and3A_813 = vector.broadcast %and3A : i32 to vector<16xi32>
      %and3A_814 = arith.andi %bitcast_convert_type3A, %and3A_813 : vector<16xi32>
      %or3A = arith.constant 1065353216 : i32
      %or3A_815 = vector.broadcast %or3A : i32 to vector<16xi32>
      %or3A_816 = arith.ori %and3A_814, %or3A_815 : vector<16xi32>
      %bitcast_convert_type3A_817 = tpu.bitcast %or3A_816 : vector<16xi32> -> vector<16xf32>
      %sub3A_818 = arith.constant 1.000000e+00 : f32
      %sub3A_819 = vector.broadcast %sub3A_818 : f32 to vector<16xf32>
      %sub3A_820 = arith.subf %bitcast_convert_type3A_817, %sub3A_819 : vector<16xf32>
      %broadcast_in_dim3A_821 = arith.constant -0.0248281863 : f32
      %broadcast_in_dim3A_822 = vector.broadcast %broadcast_in_dim3A_821 : f32 to vector<16xf32>
      %mul3A_823 = arith.mulf %broadcast_in_dim3A_822, %sub3A_820 : vector<16xf32>
      %add3A_824 = arith.constant 0.117912963 : f32
      %add3A_825 = vector.broadcast %add3A_824 : f32 to vector<16xf32>
      %add3A_826 = arith.addf %mul3A_823, %add3A_825 : vector<16xf32>
      %mul3A_827 = arith.mulf %add3A_826, %sub3A_820 : vector<16xf32>
      %add3A_828 = arith.constant -0.272362173 : f32
      %add3A_829 = vector.broadcast %add3A_828 : f32 to vector<16xf32>
      %add3A_830 = arith.addf %mul3A_827, %add3A_829 : vector<16xf32>
      %mul3A_831 = arith.mulf %add3A_830, %sub3A_820 : vector<16xf32>
      %add3A_832 = arith.constant 0.453861296 : f32
      %add3A_833 = vector.broadcast %add3A_832 : f32 to vector<16xf32>
      %add3A_834 = arith.addf %mul3A_831, %add3A_833 : vector<16xf32>
      %mul3A_835 = arith.mulf %add3A_834, %sub3A_820 : vector<16xf32>
      %add3A_836 = arith.constant -0.716988265 : f32
      %add3A_837 = vector.broadcast %add3A_836 : f32 to vector<16xf32>
      %add3A_838 = arith.addf %mul3A_835, %add3A_837 : vector<16xf32>
      %mul3A_839 = arith.mulf %add3A_838, %sub3A_820 : vector<16xf32>
      %add3A_840 = arith.constant 1.44239569 : f32
      %add3A_841 = vector.broadcast %add3A_840 : f32 to vector<16xf32>
      %add3A_842 = arith.addf %mul3A_839, %add3A_841 : vector<16xf32>
      %mul3A_843 = arith.mulf %add3A_842, %sub3A_820 : vector<16xf32>
      %add3A_844 = arith.constant 5.05904563E-6 : f32
      %add3A_845 = vector.broadcast %add3A_844 : f32 to vector<16xf32>
      %add3A_846 = arith.addf %mul3A_843, %add3A_845 : vector<16xf32>
      %convert_element_type3A = arith.sitofp %sub3A_812 : vector<16xi32> to vector<16xf32>
      %add3A_847 = arith.addf %convert_element_type3A, %add3A_846 : vector<16xf32>
      %mul3A_848 = arith.constant 0.693147182 : f32
      %mul3A_849 = vector.broadcast %mul3A_848 : f32 to vector<16xf32>
      %mul3A_850 = arith.mulf %add3A_847, %mul3A_849 : vector<16xf32>
      %sub3A_851 = arith.subf %mul3A_850, %gather3A_807 : vector<16xf32>
      %add3A_852 = arith.constant 16 : i32
      %add3A_853 = vector.broadcast %add3A_852 : i32 to vector<16xi32>
      %add3A_854 = arith.addi %select_n3A_799, %add3A_853 : vector<16xi32>
      %gather3A_855 = tpu.vector_load_idx %arg17[%add3A_854] : memref<32xf32, #tpu.memory_space<vmem>>[vector<16xi32>], vector<16xf32>,
      %mul3A_856 = arith.mulf %gather3A_855, %add3A_794 : vector<16xf32>
      %gt3A_857 = arith.cmpf ogt, %select_n3A_796, %mul3A_856 : vector<16xf32>
      %jit3A = arith.constant 0.000000e+00 : f32
      %broadcast_in_dim3A_858 = vector.broadcast %jit3A : f32 to vector<16xf32>
      %select_n3A_859 = arith.select %gt3A_857, %sub3A_851, %broadcast_in_dim3A_858 : vector<16xi1>, vector<16xf32>
      %add3A_860 = arith.addf %scan3A_542, %select_n3A_859 : vector<16xf32>
      scf.yield %add3A_860 : vector<16xf32>
    }
    %scan3A_535 = arith.constant 32 : i32
    %mul3A_536 = arith.constant 6.10351563E-5 : f32
    %mul3A_537 = vector.broadcast %mul3A_536 : f32 to vector<16xf32>
    %mul3A_538 = arith.mulf %scan3A_534, %mul3A_537 : vector<16xf32>
    %swap3A_539 = arith.constant 0 : index
    %swap3A_540 = tpu.vector_load %arg18[%swap3A_539] {strides = array<i32>} : memref<16xf32, #tpu.memory_space<vmem>>, vector<16xf32>,
    tpu.vector_store %arg18[%swap3A_539], %mul3A_538 {strides = array<i32>} : memref<16xf32, #tpu.memory_space<vmem>>, vector<16xf32>,
    "tpu.region"() ({
      %run_scoped3A = tpu.sem_alloc : memref<!tpu.dma_semaphore, #tpu.memory_space<semaphore_mem>>
      %dma_start3A = arith.constant 0 : i32
      %dma_start3A_541 = tpu.memref_slice %arg8[%add3A, %dma_start3A] : memref<32x16xf32, #tpu.memory_space<hbm>> -> memref<1x16xf32, #tpu.memory_space<hbm>>
      %dma_start3A_542 = tpu.memref_squeeze %dma_start3A_541 : memref<1x16xf32, #tpu.memory_space<hbm>> -> memref<16xf32, #tpu.memory_space<hbm>>
      %dma_start3A_543 = arith.constant 0 : i32
      %dma_start3A_544 = tpu.memref_slice %arg8[%add3A, %dma_start3A_543] : memref<32x16xf32, #tpu.memory_space<hbm>> -> memref<1x16xf32, #tpu.memory_space<hbm>>
      %dma_start3A_545 = tpu.memref_squeeze %dma_start3A_544 : memref<1x16xf32, #tpu.memory_space<hbm>> -> memref<16xf32, #tpu.memory_space<hbm>>
      tpu.enqueue_dma source(%arg18 : memref<16xf32, #tpu.memory_space<vmem>>) target(%dma_start3A_545 : memref<16xf32, #tpu.memory_space<hbm>>) target_semaphore(%run_scoped3A : memref<!tpu.dma_semaphore, #tpu.memory_space<semaphore_mem>>)
      %dma_wait3A = arith.constant 0 : i32
      %dma_wait3A_546 = tpu.memref_slice %arg8[%add3A, %dma_wait3A] : memref<32x16xf32, #tpu.memory_space<hbm>> -> memref<1x16xf32, #tpu.memory_space<hbm>>
      %dma_wait3A_547 = tpu.memref_squeeze %dma_wait3A_546 : memref<1x16xf32, #tpu.memory_space<hbm>> -> memref<16xf32, #tpu.memory_space<hbm>>
      %dma_wait3A_548 = arith.constant 0 : i32
      %dma_wait3A_549 = tpu.memref_slice %arg8[%add3A, %dma_wait3A_548] : memref<32x16xf32, #tpu.memory_space<hbm>> -> memref<1x16xf32, #tpu.memory_space<hbm>>
      %dma_wait3A_550 = tpu.memref_squeeze %dma_wait3A_549 : memref<1x16xf32, #tpu.memory_space<hbm>> -> memref<16xf32, #tpu.memory_space<hbm>>
      tpu.wait_dma2 semaphore(%run_scoped3A : memref<!tpu.dma_semaphore, #tpu.memory_space<semaphore_mem>>) src(%arg18 : memref<16xf32, #tpu.memory_space<vmem>>) dst(%dma_wait3A_550 : memref<16xf32, #tpu.memory_space<hbm>>)
      tpu.yield
    }) : () -> ()
    return
  }
}

</mosaic_0001>

<sc_bundles>
// kernel: kernel.3.cloned.1.call-start
scs
__scs_entry_jumppad:
0x0: {  	(pc) =	sbr.rel $0x88, $3  }
0x1: {  	(tag) =	ssettag $0x0;
	lr =	simm.s32 $0x1  }
0x2: {  	[smem:$0x3F9B] =	sst lr;
	_ =	strace $0xD0000000  }
0x3: {  	_ = 	snop  }
0x4: {  	_ = 	snop  }
0x5: {  	_ = 	snop  }
0x6: {  	_ = 	snop  }
0x7: {  	_ = 	snop  }
__scs_overlays_trampoline_lowered:
0x8: {  	[smem:$0x3FAA] =	sst s0  }
0x9: {  	[smem:$0x3FAB] =	sst s1  }
0xa: {  	[smem:$0x3FAC] =	sst s2  }
0xb: {  	[smem:$0x3FAD] =	sst s3  }
0xc: {  	[smem:$0x3FAE] =	sst s4  }
0xd: {  	[smem:$0x3FAF] =	sst s5  }
0xe: {  	[smem:$0x3FB0] =	sst s6  }
0xf: {  	[smem:$0x3FB1] =	sst s7  }
0x10: {  	[smem:$0x3FB2] =	sst s8  }
0x11: {  	[smem:$0x3FB3] =	sst s9;
	s0 =	simm.s32 @!p0 $0x0  }
0x12: {  	s1 =	sld [smem:$0x3F99];
	s0 =	simm.s32 @p0 $0x1  }
0x13: {  	[smem:$0x3FB4] =	sst s0;
	s0 =	simm.s32 @!p1 $0x0  }
0x14: {  	s2 =	sld [smem:$0x3F98];
	s0 =	simm.s32 @p1 $0x1  }
0x15: {  	[smem:$0x3FB5] =	sst s0;
	s0 =	simm.s32 @!p2 $0x0  }
0x16: {  	s3 =	sld [smem:$0x3FDB];
	s0 =	simm.s32 @p2 $0x1  }
0x17: {  	s4 =	simm.s32 $0x1BF5;
	[smem:$0x3FB7] =	sst s0  }
0x18: {  	s0 =	sld [smem:$0x3F9A];
	_ =	swait.ge [sflag:s4], $0x0  }
0x19: {  	s7 =	sld [smem:$0x3F9B]  }
0x1a: {  	s8 =	sadd.s32 $0xFFFFE003, lr  }
0x1b: {  	s9 =	sadd.s32 $0xFFFFFEF7, lr;
	s5 =	simm.s32 $0xFFFFFFFF;
	p2 =	slt.u32 s8, $0xFFFFF086  }
0x1c: {  	p1 =	slt.u32 s9, $0xF7A;
	s5 =	simm.s32 @!p2 $0x0  }
0x1d: {  	s5 =	simm.s32 @p1 $0x1;
	p0 =	seq.s32 s7, s2  }
0x1e: {  	s7 =	smul.u32 @!p0 $0xF7A, s2;
	p2 =	seq.s32 @!p0 s5, $0x0  }
0x1f: {  	s9 =	smul.u32 $0xF7A, s1;
	s8 =	simm.s32 @!p0 $0x1BF5;
	p2 =	por !p2, p0  }
0x20: {  	[sflag:s8] =	ssyncset.s32 @!p0 $0xFFFFF086;
	s6 =	sadd.s32 @!p0 s3, s7;
	s7 =	simm.s32 @!p0 $0x108  }
0x21: {  	s3 =	sadd.s32 s3, s9;
	s6 =	sadd.s32 @!p0 $0x88, s6;
	s7 =	simm.s32 @p2 $0x1082  }
0x22: {  	[simem:s7], [sflag:s8] =	dma.local @!p0 [hbm:s6], $0xF7A  }
0x23: {  	s9 =	sor.u32 $0xD0000000, s2;
	s6 =	simm.s32 $0x108;
	_ =	swait.ge @!p0 [sflag:s8], $0x0  }
0x24: {  	s3 =	sadd.s32 $0x88, s3;
	s6 =	simm.s32 @!p1 $0x1082;
	[sflag:s4] =	ssyncset.s32 $0xFFFFF086  }
0x25: {  	[simem:s6], [sflag:s4] =	dma.local [hbm:s3], $0xF7A  }
0x26: {  	[smem:$0x3F9B] =	sst s1;
	(tag) =	ssettag s2;
	_ =	strace s9  }
0x27: {  	s1 =	sld [smem:$0x3FAB]  }
0x28: {  	s2 =	sld [smem:$0x3FAC]  }
0x29: {  	s4 =	sld [smem:$0x3FAE]  }
0x2a: {  	p0 =	seq.s32 s5, $0x0;
	s5 =	sld [smem:$0x3FAF]  }
0x2b: {  	s6 =	sld [smem:$0x3FB0]  }
0x2c: {  	s7 =	sld [smem:$0x3FB1]  }
0x2d: {  	s3 =	simm.s32 $0x108;
	s8 =	sld [smem:$0x3FB2]  }
0x2e: {  	s3 =	simm.s32 @!p0 $0x1082;
	s9 =	sld [smem:$0x3FB3]  }
0x2f: {  	lr =	sadd.s32 s0, s3;
	s0 =	sld [smem:$0x3FAA]  }
0x30: {  	s3 =	sld [smem:$0x3FAD]  }
0x31: {  	[smem:$0x3FB6] =	sst s10  }
0x32: {  	s10 =	sld [smem:$0x3FB4];
	_ =	sdelay $0x3  }
0x33: {  	p0 =	seq.s32 s10, $0x1;
	s10 =	sld [smem:$0x3FB6];
	_ =	sdelay $0x3  }
0x34: {  	[smem:$0x3FB6] =	sst s10  }
0x35: {  	s10 =	sld [smem:$0x3FB5];
	_ =	sdelay $0x3  }
0x36: {  	p1 =	seq.s32 s10, $0x1;
	s10 =	sld [smem:$0x3FB6];
	_ =	sdelay $0x3  }
0x37: {  	[smem:$0x3FB6] =	sst s10  }
0x38: {  	s10 =	sld [smem:$0x3FB7]  }
0x39: {  	_ = 	snop;
	(pc) =	sbr.ind lr, $3  }
0x3a: {  	_ = 	snop  }
0x3b: {  	_ = 	snop  }
0x3c: {  	p2 =	seq.s32 s10, $0x1;
	s10 =	sld [smem:$0x3FB6]  }
0x3d: {  	_ =	shalt  }
0x3e: {  	_ =	shalt  }
0x3f: {  	_ =	shalt  }
0x40: {  	_ =	shalt  }
0x41: {  	_ =	shalt  }
0x42: {  	_ =	shalt  }
0x43: {  	_ =	shalt  }
0x44: {  	_ =	shalt  }
0x45: {  	_ =	shalt  }
0x46: {  	_ =	shalt  }
0x47: {  	_ =	shalt  }
0x48: {  	_ =	shalt  }
0x49: {  	_ =	shalt  }
0x4a: {  	_ =	shalt  }
0x4b: {  	_ =	shalt  }
0x4c: {  	_ =	shalt  }
0x4d: {  	_ =	shalt  }
0x4e: {  	_ =	shalt  }
0x4f: {  	_ =	shalt  }
0x50: {  	_ =	shalt  }
0x51: {  	_ =	shalt  }
0x52: {  	_ =	shalt  }
0x53: {  	_ =	shalt  }
0x54: {  	_ =	shalt  }
0x55: {  	_ =	shalt  }
0x56: {  	_ =	shalt  }
0x57: {  	_ =	shalt  }
0x58: {  	_ =	shalt  }
0x59: {  	_ =	shalt  }
0x5a: {  	_ =	shalt  }
0x5b: {  	_ =	shalt  }
0x5c: {  	_ =	shalt  }
0x5d: {  	_ =	shalt  }
0x5e: {  	_ =	shalt  }
0x5f: {  	_ =	shalt  }
0x60: {  	_ =	shalt  }
0x61: {  	_ =	shalt  }
0x62: {  	_ =	shalt  }
0x63: {  	_ =	shalt  }
0x64: {  	_ =	shalt  }
0x65: {  	_ =	shalt  }
0x66: {  	_ =	shalt  }
0x67: {  	_ =	shalt  }
0x68: {  	_ =	shalt  }
0x69: {  	_ =	shalt  }
0x6a: {  	_ =	shalt  }
0x6b: {  	_ =	shalt  }
0x6c: {  	_ =	shalt  }
0x6d: {  	_ =	shalt  }
0x6e: {  	_ =	shalt  }
0x6f: {  	_ =	shalt  }
0x70: {  	_ =	shalt  }
0x71: {  	_ =	shalt  }
0x72: {  	_ =	shalt  }
0x73: {  	_ =	shalt  }
0x74: {  	_ =	shalt  }
0x75: {  	_ =	shalt  }
0x76: {  	_ =	shalt  }
0x77: {  	_ =	shalt  }
0x78: {  	_ =	shalt  }
0x79: {  	_ =	shalt  }
0x7a: {  	_ =	shalt  }
0x7b: {  	_ =	shalt  }
0x7c: {  	_ =	shalt  }
0x7d: {  	_ =	shalt  }
0x7e: {  	_ =	shalt  }
0x7f: {  	_ =	shalt  }
0x80: {  	_ =	shalt  }
0x81: {  	_ =	shalt  }
0x82: {  	_ =	shalt  }
0x83: {  	_ =	shalt  }
0x84: {  	_ =	shalt  }
0x85: {  	_ =	shalt  }
0x86: {  	_ =	shalt  }
0x87: {  	_ =	shalt  }
.Lfunc_end0:
.L_simem_size_0:
called_computation_lowered:
.L_overlay_start_0:
0x88: {  	s2 =	sld [smem:$0x3FD9]  }
0x89: {  	s3 =	sld [smem:$0x3FFE];
	_ =	sdelay $0x1  }
0x8a: {  	s1 =	srdreg.scid  }
0x8b: {  	s0 =	sand.u32 $0x1, s1  }
0x8c: {  	s17 =	sshll.u32 s0, $0xA;
	s2 =	sadd.s32 s3, s2  }
0x8d: {  	s2 =	sadd.s32 s2, s17  }
0x8e: {  	[smem:$0x3FC2] =	sst s2  }
0x8f: {  	_ = 	snop  }
0x90: {  	s2 =	sld [smem:$0x3FC7]  }
0x91: {  	s18 =	sld [smem:$0x3FC6]  }
0x92: {  	s4 =	sld [smem:$0x3FC5]  }
0x93: {  	s5 =	sld [smem:$0x3FD0];
	(tm) =	ssettm $0x1  }
0x94: {  	s6 =	sld [smem:$0x3FFB];
	_ =	sdelay $0x3  }
0x95: {  	_ =	strace s6  }
0x96: {  	s6 =	sld [smem:$0x3FFC];
	_ =	sdelay $0x3  }
0x97: {  	_ =	strace s6  }
0x98: {  	s6 =	sld [smem:$0x3FFD];
	_ =	sdelay $0x3  }
0x99: {  	_ =	strace s6  }
0x9a: {  	_ =	strace $0x8FFFFFFF  }
0x9b: {  	s19 =	sld [smem:$0x3FDB];
	_ =	sdelay $0x1  }
0x9c: {  	s7 =	simm.s32 $_scs_section_size  }
0x9d: {  	s8 =	simm.s32 $_size__tile_overlayer_lowered;
	s9 =	simm.s32 $_tile_overlayer_lowered  }
0x9e: {  	s22 =	simm.s32 $0x1BFF;
	s21 =	sshll.u32 s9, $0x1;
	s6 =	sadd.s32 s7, s19  }
0x9f: {  	s10 =	simm.s32 $0x0;
	s20 =	sshll.u32 s8, $0x1;
	s8 =	sadd.s32 s21, s6  }
0xa0: {  	[timem:s10], [sflag:s22] =	dma.local [hbm:s8], s20  }
0xa1: {  	_ =	swait.ge [sflag:s22], s20  }
0xa2: {  	s7 =	ssub.s32 $0x0, s20;
	[sflag:s22] =	ssyncset.done $0x0  }
0xa3: {  	[sflag:s22] =	ssyncadd.s32 s7;
	_ =	sdelay $0x1  }
0xa4: {  	s23 =	simm.s32 $0x1B8B  }
0xa5: {  	_ =	swait.ge [sflag:s23], $0x1  }
0xa6: {  	[sflag:s23] =	ssyncset.done $0x0  }
0xa7: {  	s25 =	simm.s32 $0x1B8E;
	s24 =	sld [smem:$0x3FFE];
	[sflag:s23] =	ssyncadd.s32 $0xFFFFFFFF  }
0xa8: {  	s26 =	simm.s32 $execute0_lowered;
	[smem:$0x3FD2] =	sst s25  }
0xa9: {  	s8 =	sshll.u32 s26, $0x1;
	_ =	strace $0x80000046;
	[dreg:$0x1] =	wrdreg $0xFFFFFFFF  }
0xaa: {  	s28 =	simm.s32 $_size_execute0_lowered;
	s6 =	sadd.s32 s6, s8;
	[dreg:$0x0] =	wrdreg $0x0  }
0xab: {  	s8 =	sshll.u32 s28, $0x1;
	[dreg:$0x2] =	wrdreg s6  }
0xac: {  	[dreg:$0x3] =	wrdreg s8  }
0xad: {  	[dreg:$0x4] =	wrdreg $0xC0  }
0xae: {  	_ =	task [dreg:s10], $0x5FFFF  }
0xaf: {  	[dreg:$0x1] =	wrdreg $0xFFFFFFFF  }
0xb0: {  	[dreg:$0x0] =	wrdreg $0x60  }
0xb1: {  	[dreg:$0x2] =	wrdreg s24  }
0xb2: {  	[dreg:$0x3] =	wrdreg s2  }
0xb3: {  	[dreg:$0x4] =	wrdreg s18  }
0xb4: {  	[dreg:$0x5] =	wrdreg s4  }
0xb5: {  	[dreg:$0x6] =	wrdreg s5  }
0xb6: {  	[dreg:$0x7] =	wrdreg $0x9  }
0xb7: {  	_ =	task.clear_ibuf [dreg:s10], $0x8FFFF;
	_ =	strace $0x90000046  }
0xb8: {  	s29 =	simm.s32 $0x9;
	_ =	strace $0x80000048  }
0xb9: {  	_ =	swait.ge [sflag:s29], $0x1  }
0xba: {  	[sflag:s29] =	ssyncadd.s32 $0xFFFFFFFF  }
0xbb: {  	_ =	strace $0x90000048  }
0xbc: {  	_ =	sfence  }
0xbd: {  	s30 =	sld [smem:$0x0];
	_ =	sdelay $0x2  }
0xbe: {  	s31 =	sshll.u32 s1, $0xD;
	s1 =	sshrl.u32 s1, $0x2  }
0xbf: {  	s3 =	sand.u32 $0x4000, s31;
	s1 =	sadd.s32 s1, s30  }
0xc0: {  	s0 =	sor.u32 s3, s0;
	s1 =	sshll.u32 s1, $0x11  }
0xc1: {  	s0 =	sor.u32 s1, s0  }
0xc2: {  	s0 =	sadd.s32 $0x8F2B, s0  }
0xc3: {  	[sflag:s0] =	ssyncadd.remote.s32 $0x1  }
0xc4: {  	_ =	sfence.sel $0xFFFF  }
0xc5: {  	[dreg:$0x0] =	wrdreg $0xFFFFFFFF;
	(pc) =	sbr.abs _section_cstart, $3  }
0xc6: {  	[dreg:$0x1] =	wrdreg $0xFFFFFFFF  }
0xc7: {  	_ =	task.clear_ibuf [dreg:s10], $0x2FFFF;
	_ =	strace $0x9FFFFFFF  }
0xc8: {  	(tm) =	ssettm $0x7FFFFFFF  }
0xc9: {  	_ =	shalt  }
tec
execute0_lowered:
.L_overlay_start_1:
0x0: {  	(tag) =	ssettag $0x1  }
0x1: {  	s6 =	rddreg [dreg:$0x0]  }
0x2: {  	s8 =	rddreg [dreg:$0x1]  }
0x3: {  	s0 =	rddreg [dreg:$0x2]  }
0x4: {  	s2 =	rddreg [dreg:$0x3];
	s3 =	srdreg.scid  }
0x5: {  	v0 =	vlaneseq.u32;
	v1 =	vimm.f32 $1.000000000e+00;
	s1 =	stileid.u32;
	s4 =	rddreg [dreg:$0x4];
	s5 =	simm.s32 $0x0;
	vm0 =	vmmov $0x3ff  }
0x6: {  	v24 =	vimm.s32 $0x6A;
	v25 =	vimm.s32 $0x7A;
	v26 =	vimm.s32 $0x8A;
	s13 =	simm.s32 $0x2800;
	s14 =	simm.s32 $0x2A00;
	s15 =	simm.s32 $0x2B00  }
0x7: {  	v27 =	vimm.s32 $0x9A;
	s16 =	simm.s32 $0x2C00;
	s17 =	simm.s32 $0x2C80;
	s18 =	simm.s32 $0x2E80;
	v37 =	vimm.s32 $0x0;
	v2 =	vor.u32 $0x10, v0  }
0x8: {  	s19 =	simm.s32 $0x2D80;
	s20 =	simm.s32 $0x2F00;
	s21 =	simm.s32 $0x0;
	v3 =	vor.u32 $0x20, v0;
	v4 =	vor.u32 $0x30, v0;
	v5 =	vor.u32 $0x40, v0  }
0x9: {  	s7 =	sand.u32 $0x1, s3;
	s9 =	sshll.u32 s1, $0x1;
	v6 =	vor.u32 $0x50, v0;
	v7 =	vor.u32 $0x60, v0;
	v8 =	vor.u32 $0x70, v0;
	[smem:$0x7FF] =	sst s5  }
0xa: {  	s3 =	rddreg [dreg:$0x5];
	v9 =	vor.u32 $0x80, v0;
	v10 =	vor.u32 $0x90, v0;
	v11 =	vor.u32 $0xA0, v0;
	s9 =	sor.u32 s7, s9;
	_ =	strace $0x80000047  }
0xb: {  	v12 =	vor.u32 $0xB0, v0;
	v13 =	vor.u32 $0xC0, v0;
	v22 =	vmul.u32 $0xA, v0;
	s7 =	ssub.s32 $0x2, s7;
	s10 =	smul.u32 $0x280, s9;
	s11 =	sshll.u32 s9, $0x4  }
0xc: {  	v14 =	vor.u32 $0xD0, v0;
	v15 =	vor.u32 $0xE0, v0;
	v16 =	vor.u32 $0xF0, v0;
	s31 =	sshrl.u32 s7, $0x1;
	s9 =	sshll.u32 s9, $0x6;
	s11 =	sadd.s32 s11, s6  }
0xd: {  	v28 =	vor.u32 $0x1, v22;
	v29 =	vadd.s32 $0x2, v22;
	v30 =	vadd.s32 $0x3, v22;
	s12 =	ssub.s32 s7, s31;
	s8 =	sadd.s32 s8, s9;
	s10 =	sadd.s32 s10, s6  }
0xe: {  	v31 =	vadd.s32 $0x4, v22;
	v32 =	vadd.s32 $0x5, v22;
	v33 =	vadd.s32 $0x6, v22;
	s9 =	sadd.s32 $0xA400, s11;
	s11 =	simm.s32 $0x1;
	s6 =	sadd.s32 $0x400, s10  }
0xf: {  	v34 =	vadd.s32 $0x7, v22;
	v35 =	vadd.s32 $0x8, v22;
	v36 =	vadd.s32 $0x9, v22;
	s7 =	sadd.s32 $0x5400, s10;
	s10 =	smax.u32 s12, $0x1;
	s12 =	simm.s32 $0x1400  }
.LBB2_1:
0x10: {  	[tilespmem:s5], [sflag:$0x1] =	stream.linear.gather [hbm4b:s6+s5], $0x1400, $0x38;
	[tilespmem:$0x2F80] =	vst v63  }
0x11: {  	_ =	swait.ge [sflag:s11], $0x1400  }
0x12: {  	[sflag:s11] =	ssyncset.done $0x0  }
0x13: {  	[sflag:s11] =	ssyncadd.s32 $0xFFFFEC00  }
0x14: {  	[tilespmem:s12], [sflag:$0x1] =	stream.linear.gather [hbm4b:s7+s5], $0x1400, $0x38;
	[tilespmem:$0x2F80] =	vst v63  }
0x15: {  	_ =	swait.ge [sflag:s11], $0x1400  }
0x16: {  	[sflag:s11] =	ssyncset.done $0x0  }
0x17: {  	[sflag:s11] =	ssyncadd.s32 $0xFFFFEC00  }
0x18: {  	[tilespmem:s13], [sflag:$0x1] =	stream.linear.gather [hbm4b:s8+s5], $0x200, $0x38;
	[tilespmem:$0x2F80] =	vst v63  }
0x19: {  	_ =	swait.ge [sflag:s11], $0x200  }
0x1a: {  	[sflag:s11] =	ssyncset.done $0x0  }
0x1b: {  	[sflag:s11] =	ssyncadd.s32 $0xFFFFFE00  }
0x1c: {  	[tilespmem:s14], [sflag:$0x1] =	stream.linear.gather [hbm4b:s0+s5], $0x100, $0x38;
	[tilespmem:$0x2F80] =	vst v63  }
0x1d: {  	_ =	swait.ge [sflag:s11], $0x100  }
0x1e: {  	[sflag:s11] =	ssyncset.done $0x0  }
0x1f: {  	[sflag:s11] =	ssyncadd.s32 $0xFFFFFF00  }
0x20: {  	[tilespmem:s15], [sflag:$0x1] =	stream.linear.gather [hbm4b:s2+s5], $0x100, $0x38;
	[tilespmem:$0x2F80] =	vst v63  }
0x21: {  	_ =	swait.ge [sflag:s11], $0x100  }
0x22: {  	[sflag:s11] =	ssyncset.done $0x0  }
0x23: {  	[sflag:s11] =	ssyncadd.s32 $0xFFFFFF00  }
0x24: {  	[tilespmem:s16], [sflag:$0x1] =	stream.linear.gather [hbm4b:s4+s5], $0x80, $0x38;
	[tilespmem:$0x2F80] =	vst v63  }
0x25: {  	_ =	swait.ge [sflag:s11], $0x80  }
0x26: {  	[sflag:s11] =	ssyncset.done $0x0  }
0x27: {  	v38 =	vimm.f32 $0.0e+00;
	[sflag:s11] =	ssyncadd.s32 $0xFFFFFF80  }
0x28: {  	[tilespmem:$0x2C80] =	vst v38  }
0x29: {  	[tilespmem:$0x2C90] =	vst v38  }
0x2a: {  	[tilespmem:$0x2CA0] =	vst v38  }
0x2b: {  	[tilespmem:$0x2CB0] =	vst v38  }
0x2c: {  	[tilespmem:$0x2CC0] =	vst v38  }
0x2d: {  	[tilespmem:$0x2CD0] =	vst v38  }
0x2e: {  	[tilespmem:$0x2CE0] =	vst v38  }
0x2f: {  	[tilespmem:$0x2CF0] =	vst v38  }
0x30: {  	[tilespmem:$0x2D00] =	vst v38  }
0x31: {  	[tilespmem:$0x2D10] =	vst v38  }
0x32: {  	[tilespmem:$0x2E80] =	vst v38  }
0x33: {  	[tilespmem:$0x2E90] =	vst v38  }
0x34: {  	v17 =	vld.idx.msk [tilespmem:v0+s14+$0x0], $0xffff  }
0x35: {  	v39 =	vld.idx.msk [tilespmem:v0+s15+$0x0], $0xffff;
	_ =	sdelay $0x3  }
0x36: {  	v40 =	vshll.u32 v17, $0x4  }
0x37: {  	v40 =	vadd.s32 v39, v40;
	_ =	sdelay $0x1  }
0x38: {  	v39 =	vadd.s32 $0x10, v39;
	_ =	sdelay $0x2  }
0x39: {  	[tilespmem:v40+s17+$0x0] =	vst.idx.add.f32.msk $0xffff, v1  }
0x3a: {  	[tilespmem:v17+s18+$0x0] =	vst.idx.add.f32.msk $0xffff, v1  }
0x3b: {  	[tilespmem:v39+s18+$0x0] =	vst.idx.add.f32.msk $0xffff, v1  }
0x3c: {  	v17 =	vld.idx.msk [tilespmem:v2+s14+$0x0], $0xffff  }
0x3d: {  	v39 =	vld.idx.msk [tilespmem:v2+s15+$0x0], $0xffff;
	_ =	sdelay $0x3  }
0x3e: {  	v60 =	vshll.u32 v17, $0x4  }
0x3f: {  	v40 =	vadd.s32 v39, v60;
	_ =	sdelay $0x1  }
0x40: {  	v39 =	vadd.s32 $0x10, v39;
	_ =	sdelay $0x2  }
0x41: {  	[tilespmem:v40+s17+$0x0] =	vst.idx.add.f32.msk $0xffff, v1  }
0x42: {  	[tilespmem:v17+s18+$0x0] =	vst.idx.add.f32.msk $0xffff, v1  }
0x43: {  	[tilespmem:v39+s18+$0x0] =	vst.idx.add.f32.msk $0xffff, v1  }
0x44: {  	v17 =	vld.idx.msk [tilespmem:v3+s14+$0x0], $0xffff  }
0x45: {  	v39 =	vld.idx.msk [tilespmem:v3+s15+$0x0], $0xffff;
	_ =	sdelay $0x3  }
0x46: {  	v61 =	vshll.u32 v17, $0x4  }
0x47: {  	v40 =	vadd.s32 v39, v61;
	_ =	sdelay $0x1  }
0x48: {  	v39 =	vadd.s32 $0x10, v39;
	_ =	sdelay $0x2  }
0x49: {  	[tilespmem:v40+s17+$0x0] =	vst.idx.add.f32.msk $0xffff, v1  }
0x4a: {  	[tilespmem:v17+s18+$0x0] =	vst.idx.add.f32.msk $0xffff, v1  }
0x4b: {  	[tilespmem:v39+s18+$0x0] =	vst.idx.add.f32.msk $0xffff, v1  }
0x4c: {  	v17 =	vld.idx.msk [tilespmem:v4+s14+$0x0], $0xffff  }
0x4d: {  	v39 =	vld.idx.msk [tilespmem:v4+s15+$0x0], $0xffff;
	_ =	sdelay $0x3  }
0x4e: {  	v62 =	vshll.u32 v17, $0x4  }
0x4f: {  	v40 =	vadd.s32 v39, v62;
	_ =	sdelay $0x1  }
0x50: {  	v39 =	vadd.s32 $0x10, v39;
	_ =	sdelay $0x2  }
0x51: {  	[tilespmem:v40+s17+$0x0] =	vst.idx.add.f32.msk $0xffff, v1  }
0x52: {  	[tilespmem:v17+s18+$0x0] =	vst.idx.add.f32.msk $0xffff, v1  }
0x53: {  	[tilespmem:v39+s18+$0x0] =	vst.idx.add.f32.msk $0xffff, v1  }
0x54: {  	v17 =	vld.idx.msk [tilespmem:v5+s14+$0x0], $0xffff  }
0x55: {  	v39 =	vld.idx.msk [tilespmem:v5+s15+$0x0], $0xffff;
	_ =	sdelay $0x3  }
0x56: {  	v63 =	vshll.u32 v17, $0x4  }
0x57: {  	v40 =	vadd.s32 v39, v63;
	_ =	sdelay $0x1  }
0x58: {  	v39 =	vadd.s32 $0x10, v39;
	_ =	sdelay $0x2  }
0x59: {  	[tilespmem:v40+s17+$0x0] =	vst.idx.add.f32.msk $0xffff, v1  }
0x5a: {  	[tilespmem:v17+s18+$0x0] =	vst.idx.add.f32.msk $0xffff, v1  }
0x5b: {  	[tilespmem:v39+s18+$0x0] =	vst.idx.add.f32.msk $0xffff, v1  }
0x5c: {  	v17 =	vld.idx.msk [tilespmem:v6+s14+$0x0], $0xffff  }
0x5d: {  	v39 =	vld.idx.msk [tilespmem:v6+s15+$0x0], $0xffff;
	_ =	sdelay $0x3  }
0x5e: {  	v44 =	vshll.u32 v17, $0x4  }
0x5f: {  	v40 =	vadd.s32 v39, v44;
	_ =	sdelay $0x1  }
0x60: {  	v39 =	vadd.s32 $0x10, v39;
	_ =	sdelay $0x2  }
0x61: {  	[tilespmem:v40+s17+$0x0] =	vst.idx.add.f32.msk $0xffff, v1  }
0x62: {  	[tilespmem:v17+s18+$0x0] =	vst.idx.add.f32.msk $0xffff, v1  }
0x63: {  	[tilespmem:v39+s18+$0x0] =	vst.idx.add.f32.msk $0xffff, v1  }
0x64: {  	v17 =	vld.idx.msk [tilespmem:v7+s14+$0x0], $0xffff  }
0x65: {  	v39 =	vld.idx.msk [tilespmem:v7+s15+$0x0], $0xffff;
	_ =	sdelay $0x3  }
0x66: {  	v45 =	vshll.u32 v17, $0x4  }
0x67: {  	v40 =	vadd.s32 v39, v45;
	_ =	sdelay $0x1  }
0x68: {  	v39 =	vadd.s32 $0x10, v39;
	_ =	sdelay $0x2  }
0x69: {  	[tilespmem:v40+s17+$0x0] =	vst.idx.add.f32.msk $0xffff, v1  }
0x6a: {  	[tilespmem:v17+s18+$0x0] =	vst.idx.add.f32.msk $0xffff, v1  }
0x6b: {  	[tilespmem:v39+s18+$0x0] =	vst.idx.add.f32.msk $0xffff, v1  }
0x6c: {  	v17 =	vld.idx.msk [tilespmem:v8+s14+$0x0], $0xffff  }
0x6d: {  	v39 =	vld.idx.msk [tilespmem:v8+s15+$0x0], $0xffff;
	_ =	sdelay $0x3  }
0x6e: {  	v46 =	vshll.u32 v17, $0x4  }
0x6f: {  	v40 =	vadd.s32 v39, v46;
	_ =	sdelay $0x1  }
0x70: {  	v39 =	vadd.s32 $0x10, v39;
	_ =	sdelay $0x2  }
0x71: {  	[tilespmem:v40+s17+$0x0] =	vst.idx.add.f32.msk $0xffff, v1  }
0x72: {  	[tilespmem:v17+s18+$0x0] =	vst.idx.add.f32.msk $0xffff, v1  }
0x73: {  	[tilespmem:v39+s18+$0x0] =	vst.idx.add.f32.msk $0xffff, v1  }
0x74: {  	v17 =	vld.idx.msk [tilespmem:v9+s14+$0x0], $0xffff  }
0x75: {  	v39 =	vld.idx.msk [tilespmem:v9+s15+$0x0], $0xffff;
	_ =	sdelay $0x3  }
0x76: {  	v47 =	vshll.u32 v17, $0x4  }
0x77: {  	v40 =	vadd.s32 v39, v47;
	_ =	sdelay $0x1  }
0x78: {  	v39 =	vadd.s32 $0x10, v39;
	_ =	sdelay $0x2  }
0x79: {  	[tilespmem:v40+s17+$0x0] =	vst.idx.add.f32.msk $0xffff, v1  }
0x7a: {  	[tilespmem:v17+s18+$0x0] =	vst.idx.add.f32.msk $0xffff, v1  }
0x7b: {  	[tilespmem:v39+s18+$0x0] =	vst.idx.add.f32.msk $0xffff, v1  }
0x7c: {  	v17 =	vld.idx.msk [tilespmem:v10+s14+$0x0], $0xffff  }
0x7d: {  	v39 =	vld.idx.msk [tilespmem:v10+s15+$0x0], $0xffff;
	_ =	sdelay $0x3  }
0x7e: {  	v48 =	vshll.u32 v17, $0x4  }
0x7f: {  	v40 =	vadd.s32 v39, v48;
	_ =	sdelay $0x1  }
0x80: {  	v39 =	vadd.s32 $0x10, v39;
	_ =	sdelay $0x2  }
0x81: {  	[tilespmem:v40+s17+$0x0] =	vst.idx.add.f32.msk $0xffff, v1  }
0x82: {  	[tilespmem:v17+s18+$0x0] =	vst.idx.add.f32.msk $0xffff, v1  }
0x83: {  	[tilespmem:v39+s18+$0x0] =	vst.idx.add.f32.msk $0xffff, v1  }
0x84: {  	v17 =	vld.idx.msk [tilespmem:v11+s14+$0x0], $0xffff  }
0x85: {  	v39 =	vld.idx.msk [tilespmem:v11+s15+$0x0], $0xffff;
	_ =	sdelay $0x3  }
0x86: {  	v49 =	vshll.u32 v17, $0x4  }
0x87: {  	v40 =	vadd.s32 v39, v49;
	_ =	sdelay $0x1  }
0x88: {  	v39 =	vadd.s32 $0x10, v39;
	_ =	sdelay $0x2  }
0x89: {  	[tilespmem:v40+s17+$0x0] =	vst.idx.add.f32.msk $0xffff, v1  }
0x8a: {  	[tilespmem:v17+s18+$0x0] =	vst.idx.add.f32.msk $0xffff, v1  }
0x8b: {  	[tilespmem:v39+s18+$0x0] =	vst.idx.add.f32.msk $0xffff, v1  }
0x8c: {  	v17 =	vld.idx.msk [tilespmem:v12+s14+$0x0], $0xffff  }
0x8d: {  	v39 =	vld.idx.msk [tilespmem:v12+s15+$0x0], $0xffff;
	_ =	sdelay $0x3  }
0x8e: {  	v50 =	vshll.u32 v17, $0x4  }
0x8f: {  	v40 =	vadd.s32 v39, v50;
	_ =	sdelay $0x1  }
0x90: {  	v39 =	vadd.s32 $0x10, v39;
	_ =	sdelay $0x2  }
0x91: {  	[tilespmem:v40+s17+$0x0] =	vst.idx.add.f32.msk $0xffff, v1  }
0x92: {  	[tilespmem:v17+s18+$0x0] =	vst.idx.add.f32.msk $0xffff, v1  }
0x93: {  	[tilespmem:v39+s18+$0x0] =	vst.idx.add.f32.msk $0xffff, v1  }
0x94: {  	v17 =	vld.idx.msk [tilespmem:v13+s14+$0x0], $0xffff  }
0x95: {  	v39 =	vld.idx.msk [tilespmem:v13+s15+$0x0], $0xffff;
	_ =	sdelay $0x3  }
0x96: {  	v51 =	vshll.u32 v17, $0x4  }
0x97: {  	v40 =	vadd.s32 v39, v51;
	_ =	sdelay $0x1  }
0x98: {  	v39 =	vadd.s32 $0x10, v39;
	_ =	sdelay $0x2  }
0x99: {  	[tilespmem:v40+s17+$0x0] =	vst.idx.add.f32.msk $0xffff, v1  }
0x9a: {  	[tilespmem:v17+s18+$0x0] =	vst.idx.add.f32.msk $0xffff, v1  }
0x9b: {  	[tilespmem:v39+s18+$0x0] =	vst.idx.add.f32.msk $0xffff, v1  }
0x9c: {  	v17 =	vld.idx.msk [tilespmem:v14+s14+$0x0], $0xffff  }
0x9d: {  	v39 =	vld.idx.msk [tilespmem:v14+s15+$0x0], $0xffff;
	_ =	sdelay $0x3  }
0x9e: {  	v52 =	vshll.u32 v17, $0x4  }
0x9f: {  	v40 =	vadd.s32 v39, v52;
	_ =	sdelay $0x1  }
0xa0: {  	v39 =	vadd.s32 $0x10, v39;
	_ =	sdelay $0x2  }
0xa1: {  	[tilespmem:v40+s17+$0x0] =	vst.idx.add.f32.msk $0xffff, v1  }
0xa2: {  	[tilespmem:v17+s18+$0x0] =	vst.idx.add.f32.msk $0xffff, v1  }
0xa3: {  	[tilespmem:v39+s18+$0x0] =	vst.idx.add.f32.msk $0xffff, v1  }
0xa4: {  	v17 =	vld.idx.msk [tilespmem:v15+s14+$0x0], $0xffff  }
0xa5: {  	v39 =	vld.idx.msk [tilespmem:v15+s15+$0x0], $0xffff;
	_ =	sdelay $0x3  }
0xa6: {  	v53 =	vshll.u32 v17, $0x4  }
0xa7: {  	v40 =	vadd.s32 v39, v53;
	_ =	sdelay $0x1  }
0xa8: {  	v39 =	vadd.s32 $0x10, v39;
	_ =	sdelay $0x2  }
0xa9: {  	[tilespmem:v40+s17+$0x0] =	vst.idx.add.f32.msk $0xffff, v1  }
0xaa: {  	[tilespmem:v17+s18+$0x0] =	vst.idx.add.f32.msk $0xffff, v1  }
0xab: {  	[tilespmem:v39+s18+$0x0] =	vst.idx.add.f32.msk $0xffff, v1  }
0xac: {  	v17 =	vld.idx.msk [tilespmem:v16+s14+$0x0], $0x3ff  }
0xad: {  	v39 =	vld.idx.msk [tilespmem:v16+s15+$0x0], $0x3ff;
	_ =	sdelay $0x3  }
0xae: {  	v54 =	vshll.u32 v17, $0x4  }
0xaf: {  	v40 =	vadd.s32 v39, v54;
	_ =	sdelay $0x1  }
0xb0: {  	v39 =	vadd.s32 $0x10, v39;
	_ =	sdelay $0x2  }
0xb1: {  	v18 =	vimm.s32 $0xA;
	[tilespmem:v40+s17+$0x0] =	vst.idx.add.f32.msk $0x3ff, v1  }
0xb2: {  	[tilespmem:v17+s18+$0x0] =	vst.idx.add.f32.msk $0x3ff, v1  }
0xb3: {  	[tilespmem:v39+s18+$0x0] =	vst.idx.add.f32.msk $0x3ff, v1  }
0xb4: {  	v17 =	vld [tilespmem:$0x2E80];
	_ =	sdelay $0x1  }
0xb5: {  	v39 =	vld.idx.msk [tilespmem:v18+s17+$0x0], $0xffff;
	_ =	sdelay $0x1  }
0xb6: {  	v40 =	vld [tilespmem:$0x2C80]  }
0xb7: {  	v17 =	vmul.f32 $4.000000190e-03, v17;
	_ =	sdelay $0x1  }
0xb8: {  	v18 =	vimm.s32 $0x1A;
	v39 =	vmul.f32 v17, v39;
	_ =	sdelay $0x1  }
0xb9: {  	v39 =	vadd.f32 v39, v40;
	_ =	sdelay $0x1  }
0xba: {  	[tilespmem:$0x2C80] =	vst v39  }
0xbb: {  	v55 =	vld.idx.msk [tilespmem:v18+s17+$0x0], $0xffff;
	_ =	sdelay $0x1  }
0xbc: {  	v41 =	vld [tilespmem:$0x2C90];
	_ =	sdelay $0x2  }
0xbd: {  	v18 =	vimm.s32 $0x2A;
	v40 =	vmul.f32 v55, v17;
	_ =	sdelay $0x1  }
0xbe: {  	v40 =	vadd.f32 v40, v41;
	_ =	sdelay $0x1  }
0xbf: {  	[tilespmem:$0x2C90] =	vst v40  }
0xc0: {  	v56 =	vld.idx.msk [tilespmem:v18+s17+$0x0], $0xffff;
	_ =	sdelay $0x1  }
0xc1: {  	v42 =	vld [tilespmem:$0x2CA0];
	_ =	sdelay $0x2  }
0xc2: {  	v18 =	vimm.s32 $0x3A;
	v41 =	vmul.f32 v56, v17;
	_ =	sdelay $0x1  }
0xc3: {  	v41 =	vadd.f32 v41, v42;
	_ =	sdelay $0x1  }
0xc4: {  	[tilespmem:$0x2CA0] =	vst v41  }
0xc5: {  	v57 =	vld.idx.msk [tilespmem:v18+s17+$0x0], $0xffff;
	_ =	sdelay $0x1  }
0xc6: {  	v43 =	vld [tilespmem:$0x2CB0];
	_ =	sdelay $0x2  }
0xc7: {  	v18 =	vimm.s32 $0x4A;
	v42 =	vmul.f32 v57, v17;
	_ =	sdelay $0x1  }
0xc8: {  	v42 =	vadd.f32 v42, v43;
	_ =	sdelay $0x1  }
0xc9: {  	[tilespmem:$0x2CB0] =	vst v42  }
0xca: {  	v58 =	vld.idx.msk [tilespmem:v18+s17+$0x0], $0xffff;
	_ =	sdelay $0x1  }
0xcb: {  	v44 =	vld [tilespmem:$0x2CC0];
	_ =	sdelay $0x2  }
0xcc: {  	v18 =	vimm.s32 $0x5A;
	v43 =	vmul.f32 v58, v17;
	_ =	sdelay $0x1  }
0xcd: {  	v43 =	vadd.f32 v43, v44;
	_ =	sdelay $0x1  }
0xce: {  	[tilespmem:$0x2CC0] =	vst v43  }
0xcf: {  	v59 =	vld.idx.msk [tilespmem:v18+s17+$0x0], $0xffff;
	_ =	sdelay $0x1  }
0xd0: {  	v45 =	vld [tilespmem:$0x2CD0];
	_ =	sdelay $0x2  }
0xd1: {  	v44 =	vmul.f32 v59, v17;
	_ =	sdelay $0x1  }
0xd2: {  	v44 =	vadd.f32 v44, v45;
	_ =	sdelay $0x1  }
0xd3: {  	[tilespmem:$0x2CD0] =	vst v44  }
0xd4: {  	v60 =	vld.idx.msk [tilespmem:v24+s17+$0x0], $0xffff;
	_ =	sdelay $0x1  }
0xd5: {  	v46 =	vld [tilespmem:$0x2CE0];
	_ =	sdelay $0x2  }
0xd6: {  	v45 =	vmul.f32 v60, v17;
	_ =	sdelay $0x1  }
0xd7: {  	v45 =	vadd.f32 v45, v46;
	_ =	sdelay $0x1  }
0xd8: {  	[tilespmem:$0x2CE0] =	vst v45  }
0xd9: {  	v61 =	vld.idx.msk [tilespmem:v25+s17+$0x0], $0xffff;
	_ =	sdelay $0x1  }
0xda: {  	v47 =	vld [tilespmem:$0x2CF0];
	_ =	sdelay $0x2  }
0xdb: {  	v46 =	vmul.f32 v61, v17;
	_ =	sdelay $0x1  }
0xdc: {  	v46 =	vadd.f32 v46, v47;
	_ =	sdelay $0x1  }
0xdd: {  	[tilespmem:$0x2CF0] =	vst v46  }
0xde: {  	v62 =	vld.idx.msk [tilespmem:v26+s17+$0x0], $0xffff;
	_ =	sdelay $0x1  }
0xdf: {  	v48 =	vld [tilespmem:$0x2D00];
	_ =	sdelay $0x2  }
0xe0: {  	v49 =	vadd.f32 $0.0e+00, v39;
	v47 =	vmul.f32 v62, v17;
	_ =	sdelay $0x1  }
0xe1: {  	v40 =	vadd.f32 v40, v49;
	v47 =	vadd.f32 v47, v48;
	_ =	sdelay $0x1  }
0xe2: {  	v40 =	vadd.f32 v41, v40;
	[tilespmem:$0x2D00] =	vst v47  }
0xe3: {  	v63 =	vld.idx.msk [tilespmem:v27+s17+$0x0], $0xffff  }
0xe4: {  	v40 =	vadd.f32 v42, v40  }
0xe5: {  	v48 =	vld [tilespmem:$0x2D10]  }
0xe6: {  	v40 =	vadd.f32 v43, v40;
	_ =	sdelay $0x1  }
0xe7: {  	v40 =	vadd.f32 v44, v40;
	v17 =	vmul.f32 v63, v17  }
0xe8: {  	v39 =	vnsel vm0, $0x3F800000, v39  }
0xe9: {  	(erf) = vrcp.f32 v39;
	v40 =	vadd.f32 v45, v40;
	v17 =	vadd.f32 v17, v48;
	_ =	sdelay $0x1  }
0xea: {  	v49 =	vadd.f32 v46, v40;
	[tilespmem:$0x2D10] =	vst v17  }
0xeb: {  	v50 =	vld.idx.msk [tilespmem:v22+s16+$0x0], $0x3ff  }
0xec: {  	v51 =	vld [tilespmem:$0x2C90];
	v39 =	vadd.f32 v47, v49;
	_ =	sdelay $0x1  }
0xed: {  	v17 =	vadd.f32 v17, v39;
	_ =	sdelay $0x1  }
0xee: {  	v39 =	vmul.f32 v17, v50  }
0xef: {  	v52 =	vpop (erf);
	v41 =	vnsel vm0, $0x3F800000, v51  }
0xf0: {  	(erf) = vrcp.f32 v41;
	v39 =	vmul.f32 v39, v52;
	_ =	sdelay $0x1  }
0xf1: {  	[tilespmem:$0x2D80] =	vst v39  }
0xf2: {  	v39 =	vld.idx.msk [tilespmem:v28+s16+$0x0], $0x3ff  }
0xf3: {  	v53 =	vld [tilespmem:$0x2CA0];
	_ =	sdelay $0x3  }
0xf4: {  	v39 =	vmul.f32 v39, v17  }
0xf5: {  	v41 =	vpop (erf);
	v40 =	vnsel vm0, $0x3F800000, v53  }
0xf6: {  	(erf) = vrcp.f32 v40;
	v39 =	vmul.f32 v41, v39;
	_ =	sdelay $0x1  }
0xf7: {  	[tilespmem:$0x2D90] =	vst v39  }
0xf8: {  	v39 =	vld.idx.msk [tilespmem:v29+s16+$0x0], $0x3ff  }
0xf9: {  	v54 =	vld [tilespmem:$0x2CB0];
	_ =	sdelay $0x3  }
0xfa: {  	v39 =	vmul.f32 v39, v17  }
0xfb: {  	v40 =	vnsel vm0, $0x3F800000, v54;
	v55 =	vpop (erf)  }
0xfc: {  	(erf) = vrcp.f32 v40;
	v39 =	vmul.f32 v55, v39;
	_ =	sdelay $0x1  }
0xfd: {  	[tilespmem:$0x2DA0] =	vst v39  }
0xfe: {  	v39 =	vld.idx.msk [tilespmem:v30+s16+$0x0], $0x3ff  }
0xff: {  	v56 =	vld [tilespmem:$0x2CC0];
	_ =	sdelay $0x3  }
0x100: {  	v39 =	vmul.f32 v39, v17  }
0x101: {  	v40 =	vnsel vm0, $0x3F800000, v56;
	v57 =	vpop (erf)  }
0x102: {  	(erf) = vrcp.f32 v40;
	v39 =	vmul.f32 v57, v39;
	_ =	sdelay $0x1  }
0x103: {  	[tilespmem:$0x2DB0] =	vst v39  }
0x104: {  	v39 =	vld.idx.msk [tilespmem:v31+s16+$0x0], $0x3ff  }
0x105: {  	v58 =	vld [tilespmem:$0x2CD0];
	_ =	sdelay $0x3  }
0x106: {  	v39 =	vmul.f32 v39, v17  }
0x107: {  	v40 =	vnsel vm0, $0x3F800000, v58;
	v59 =	vpop (erf)  }
0x108: {  	(erf) = vrcp.f32 v40;
	v39 =	vmul.f32 v59, v39;
	_ =	sdelay $0x1  }
0x109: {  	[tilespmem:$0x2DC0] =	vst v39  }
0x10a: {  	v39 =	vld.idx.msk [tilespmem:v32+s16+$0x0], $0x3ff  }
0x10b: {  	v60 =	vld [tilespmem:$0x2CE0];
	_ =	sdelay $0x3  }
0x10c: {  	v39 =	vmul.f32 v39, v17  }
0x10d: {  	v40 =	vnsel vm0, $0x3F800000, v60;
	v62 =	vld [tilespmem:$0x2E90];
	v61 =	vpop (erf)  }
0x10e: {  	(erf) = vrcp.f32 v40;
	v39 =	vmul.f32 v61, v39;
	_ =	sdelay $0x1  }
0x10f: {  	[tilespmem:$0x2DD0] =	vst v39  }
0x110: {  	v39 =	vld.idx.msk [tilespmem:v33+s16+$0x0], $0x3ff  }
0x111: {  	(xrf0) =	vmax.scan.msk.f32 $0xffff, v62;
	v63 =	vld [tilespmem:$0x2CF0]  }
0x112: {  	v48 =	vld [tilespmem:$0x2D00]  }
0x113: {  	v49 =	vld [tilespmem:$0x2D10];
	_ =	sdelay $0x1  }
0x114: {  	v39 =	vmul.f32 v39, v17  }
0x115: {  	v50 =	vpop (erf);
	v41 =	vnsel vm0, $0x3F800000, v63  }
0x116: {  	v51 =	vnsel vm0, $0x3F800000, v48;
	v52, _, _ =	vpop (xrf0);
	(erf) = vrcp.f32 v41;
	v39 =	vmul.f32 v50, v39  }
0x117: {  	v54 =	vnsel vm0, $0x3F800000, v49;
	v41 =	vbroadcast v52, $0xF;
	(erf) = vrcp.f32 v51  }
0x118: {  	(erf) = vrcp.f32 v54;
	[tilespmem:$0x2DE0] =	vst v39  }
0x119: {  	(erf) = vrcp.f32 v41;
	v53 =	vld.idx.msk [tilespmem:v34+s16+$0x0], $0x3ff;
	_ =	sdelay $0x4  }
0x11a: {  	v55 =	vmul.f32 v53, v17  }
0x11b: {  	v56 =	vpop (erf)  }
0x11c: {  	v57 =	vpop (erf);
	v39 =	vmul.f32 v56, v55  }
0x11d: {  	v59 =	vpop (erf)  }
0x11e: {  	v60 =	vpop (erf);
	[tilespmem:$0x2DF0] =	vst v39  }
0x11f: {  	v40 =	vmul.f32 v60, v62;
	v58 =	vld.idx.msk [tilespmem:v35+s16+$0x0], $0x3ff;
	_ =	sdelay $0x1  }
0x120: {  	v43 =	vsub.f32 $2.000000000e+00, v40;
	_ =	sdelay $0x1  }
0x121: {  	(erf) = vrcp.f32 v43  }
0x122: {  	v41 =	vmul.f32 v58, v17;
	_ =	sdelay $0x1  }
0x123: {  	v39 =	vmul.f32 v57, v41;
	_ =	sdelay $0x1  }
0x124: {  	[tilespmem:$0x2E00] =	vst v39  }
0x125: {  	v39 =	vld.idx.msk [tilespmem:v36+s16+$0x0], $0x3ff;
	_ =	sdelay $0x1  }
0x126: {  	v61 =	vmov s5  }
0x127: {  	v62 =	vpop (erf);
	v41 =	vmul.u32 $0xA, v61  }
0x128: {  	v40 =	vmul.f32 v62, v40  }
0x129: {  	v17 =	vmul.f32 v39, v17;
	v39 =	vadd.s32 v22, v41  }
0x12a: {  	v40 =	vmul.f32 $9.499999880e-01, v40  }
0x12b: {  	v63 =	vadd.s32 v28, v41;
	v17 =	vmul.f32 v59, v17  }
0x12c: {  	[tilespmem:$0x2E90] =	vst v40  }
0x12d: {  	[tilespmem:$0x2E10] =	vst v17;
	v17 =	vadd.s32 v29, v41  }
0x12e: {  	v40 =	vld.idx.msk [tilespmem:v39+s5+$0x0], $0xffff  }
0x12f: {  	v43 =	vadd.s32 v30, v41  }
0x130: {  	v45 =	vadd.s32 v31, v41;
	v54 =	vld.idx.msk [tilespmem:v63+s5+$0x0], $0xffff  }
0x131: {  	v47 =	vadd.s32 v32, v41  }
0x132: {  	v56 =	vor.u32 s5, v0;
	v55 =	vld.idx.msk [tilespmem:v17+s5+$0x0], $0xffff  }
0x133: {  	v50 =	vadd.s32 v33, v41;
	v40 =	vmul.f32 $1.442695020e+00, v40  }
0x134: {  	v51 =	vadd.s32 v34, v41;
	v57 =	vld.idx.msk [tilespmem:v43+s5+$0x0], $0xffff  }
0x135: {  	v58 =	vld.idx.msk [tilespmem:v45+s5+$0x0], $0xffff;
	v44 =	vmul.f32 $1.442695020e+00, v54;
	(erf) = vpow2.f32 v40  }
0x136: {  	v59 =	vld.idx.msk [tilespmem:v47+s5+$0x0], $0xffff  }
0x137: {  	v48 =	vld.idx.msk [tilespmem:v56+s13+$0x0], $0xffff;
	(erf) = vpow2.f32 v44;
	v46 =	vmul.f32 $1.442695020e+00, v55  }
0x138: {  	v60 =	vld.idx.msk [tilespmem:v50+s5+$0x0], $0xffff  }
0x139: {  	v52 =	vadd.s32 v35, v41;
	v53 =	vld.idx.msk [tilespmem:v51+s5+$0x0], $0xffff;
	v49 =	vmul.f32 $1.442695020e+00, v57;
	(erf) = vpow2.f32 v46  }
0x13a: {  	v42 =	vld.idx.msk [tilespmem:v63+s12+$0x0], $0xffff  }
0x13b: {  	v41 =	vadd.s32 v36, v41;
	v43 =	vld.idx.msk [tilespmem:v43+s12+$0x0], $0xffff;
	v40 =	vmul.f32 $1.442695020e+00, v58;
	(erf) = vpow2.f32 v49  }
0x13c: {  	v47 =	vld.idx.msk [tilespmem:v47+s12+$0x0], $0xffff  }
0x13d: {  	v17 =	vld.idx.msk [tilespmem:v17+s12+$0x0], $0xffff;
	v44 =	vmul.f32 $1.442695020e+00, v59;
	(erf) = vpow2.f32 v40  }
0x13e: {  	v55 =	vld.idx.msk [tilespmem:v52+s5+$0x0], $0xffff;
	v56 =	vpop (erf)  }
0x13f: {  	s22 =	simm.s32 $0x10;
	v46 =	vmul.f32 $1.442695020e+00, v60;
	v49 =	vld.idx.msk [tilespmem:v39+s12+$0x0], $0xffff;
	(erf) = vpow2.f32 v44;
	v56 =	vadd.f32 $0.0e+00, v56  }
0x140: {  	v54 =	vmov s22;
	v48 =	vshll.u32 v48, $0x4;
	v57 =	vld.idx.msk [tilespmem:v41+s5+$0x0], $0xffff;
	v42 =	vadd.f32 v42, v42;
	v61 =	vpop (erf)  }
0x141: {  	v41 =	vld.idx.msk [tilespmem:v41+s12+$0x0], $0xffff;
	v53 =	vmul.f32 $1.442695020e+00, v53;
	(erf) = vpow2.f32 v46;
	v44 =	vadd.f32 v61, v56  }
0x142: {  	v43 =	vadd.f32 v43, v43;
	v47 =	vadd.f32 v47, v47;
	v42 =	vmul.f32 $1.442695020e+00, v42;
	v61 =	vpop (erf)  }
0x143: {  	v55 =	vmul.f32 $1.442695020e+00, v55;
	(erf) = vpow2.f32 v53;
	v44 =	vadd.f32 v61, v44  }
0x144: {  	v43 =	vmul.f32 $1.442695020e+00, v43;
	v17 =	vadd.f32 v17, v17;
	v49 =	vadd.f32 v49, v49;
	v61 =	vpop (erf)  }
0x145: {  	v57 =	vmul.f32 $1.442695020e+00, v57;
	v46 =	vld.idx.msk [tilespmem:v52+s12+$0x0], $0xffff;
	(erf) = vpow2.f32 v55;
	v44 =	vadd.f32 v61, v44  }
0x146: {  	v45 =	vld.idx.msk [tilespmem:v45+s12+$0x0], $0xffff;
	v47 =	vmul.f32 $1.442695020e+00, v47;
	v41 =	vadd.f32 v41, v41;
	v49 =	vmul.f32 $1.442695020e+00, v49;
	v62 =	vpop (erf)  }
0x147: {  	v51 =	vld.idx.msk [tilespmem:v51+s12+$0x0], $0xffff;
	v17 =	vmul.f32 $1.442695020e+00, v17;
	(erf) = vpow2.f32 v57;
	v44 =	vadd.f32 v62, v44  }
0x148: {  	v58 =	vor.u32 $0x9, v48;
	v41 =	vmul.f32 $1.442695020e+00, v41;
	(erf) = vpow2.f32 v49;
	v63 =	vpop (erf)  }
0x149: {  	v52 =	vor.u32 $0x3, v48;
	v53 =	vor.u32 $0x2, v48;
	v44 =	vadd.f32 v63, v44  }
0x14a: {  	v50 =	vld.idx.msk [tilespmem:v50+s12+$0x0], $0xffff;
	v46 =	vadd.f32 v46, v46;
	v49 =	vor.u32 $0x1, v48;
	(erf) = vpow2.f32 v42;
	v61 =	vpop (erf)  }
0x14b: {  	v57 =	vadd.f32 v45, v45;
	(erf) = vpow2.f32 v17;
	v44 =	vadd.f32 v61, v44  }
0x14c: {  	v45 =	vadd.f32 v51, v51;
	v46 =	vmul.f32 $1.442695020e+00, v46;
	v62 =	vpop (erf);
	(erf) = vpow2.f32 v41  }
0x14d: {  	v17 =	vld.idx.msk [tilespmem:v48+s19+$0x0], $0xffff;
	v63 =	vmul.f32 $1.442695020e+00, v57;
	(erf) = vpow2.f32 v43;
	v55 =	vadd.f32 v62, v44  }
0x14e: {  	v56 =	vor.u32 $0x4, v48;
	v45 =	vmul.f32 $1.442695020e+00, v45;
	(erf) = vpow2.f32 v46;
	v61 =	vpop (erf)  }
0x14f: {  	v57 =	vadd.f32 v50, v50;
	v43 =	vld.idx.msk [tilespmem:v49+s19+$0x0], $0xffff;
	(erf) = vpow2.f32 v63;
	v42 =	vadd.f32 v61, v55  }
0x150: {  	v59 =	vor.u32 $0x8, v48;
	v60 =	vor.u32 $0x7, v48;
	v51 =	vor.u32 $0x5, v48;
	v62 =	vpop (erf)  }
0x151: {  	v63 =	vld.idx.msk [tilespmem:v53+s19+$0x0], $0xffff;
	v44 =	vmul.f32 $1.442695020e+00, v57;
	(erf) = vpow2.f32 v45;
	v53 =	vpop (erf);
	v41 =	vadd.f32 v62, v42  }
0x152: {  	v50 =	vmul.u32 $0xA, v54;
	(erf) = vpow2.f32 v47;
	v49 =	vmul.f32 v53, v17;
	v17 =	vld.idx.msk [tilespmem:v52+s19+$0x0], $0xffff  }
0x153: {  	v42 =	vor.u32 $0x6, v48;
	v55 =	vpop (erf);
	(erf) = vpow2.f32 v44;
	v57 =	vand.u32 $0x7FFFFF, v41  }
0x154: {  	v45 =	vld.idx.msk [tilespmem:v56+s19+$0x0], $0xffff;
	vm1 =	vgt.f32 v49, $-3.399999950e+38;
	v55 =	vmul.f32 v55, v43;
	v62 =	vpop (erf);
	v43 =	vor.u32 $0x3F800000, v57  }
0x155: {  	v18 =	vld.idx.msk [tilespmem:v58+s19+$0x0], $0xffff;
	v40 =	vor.u32 s22, v0;
	v61 =	vnsel vm1, $0xFF7FC99E, v49;
	v19 =	vpop (erf);
	v43 =	vadd.f32 $-1.000000000e+00, v43  }
0x156: {  	v60 =	vld.idx.msk [tilespmem:v60+s19+$0x0], $0xffff;
	v46 =	vadd.s32 v31, v50;
	v56 =	vmul.f32 v62, v63;
	vm1 =	vgt.f32 v55, v61;
	v54 =	vpop (erf)  }
0x157: {  	v51 =	vld.idx.msk [tilespmem:v51+s19+$0x0], $0xffff;
	v63 =	vsel vm1, v55, v61;
	v54 =	vmul.f32 v54, v17;
	v58 =	vpop (erf);
	v17 =	vmul.f32 $-2.482818630e-02, v43  }
0x158: {  	v47 =	vadd.s32 v30, v50;
	v53 =	vadd.s32 v28, v50;
	v57 =	vld.idx.msk [tilespmem:v59+s19+$0x0], $0xffff;
	vm2 =	vgt.f32 v56, v63;
	v59 =	vpop (erf)  }
0x159: {  	v44 =	vadd.s32 v33, v50;
	v61 =	vsel vm2, v56, v63;
	v52 =	vmul.f32 v59, v45;
	v59 =	vld.idx.msk [tilespmem:v42+s19+$0x0], $0xffff  }
0x15a: {  	v48 =	vadd.s32 v29, v50;
	v62 =	vpop (erf);
	vm3 =	vgt.f32 v54, v61;
	v63 =	vadd.f32 $1.179129630e-01, v17  }
0x15b: {  	s22 =	simm.s32 $0x20;
	v45 =	vadd.s32 v22, v50;
	v42 =	vmul.f32 v19, v18;
	v61 =	vsel vm3, v54, v61;
	v17 =	vpop (erf)  }
.LBB2_2:
0x15c: {  	p0 =	sne.s32 s22, $0x1F0;
	vm4 =	vgt.f32 v52, v61;
	v17 =	vmul.f32 v17, v51;
	v18 =	vmul.f32 v63, v43;
	v19 =	vpop (erf)  }
0x15d: {  	v60 =	vmul.f32 v62, v60;
	v57 =	vmul.f32 v58, v57;
	v51 =	vsel vm4, v52, v61  }
0x15e: {  	v19 =	vmul.f32 v19, v59;
	vm5 =	vgt.f32 v17, v51;
	v18 =	vadd.f32 $-2.723621730e-01, v18  }
0x15f: {  	v49 =	vadd.f32 $0.0e+00, v49;
	v58 =	vsel vm1, $0x1, v37;
	v51 =	vsel vm5, v17, v51  }
0x160: {  	v58 =	vsel vm2, $0x2, v58;
	vm1 =	vgt.f32 v19, v51;
	v18 =	vmul.f32 v18, v43  }
0x161: {  	v49 =	vadd.f32 v55, v49;
	v55 =	vsel vm3, $0x3, v58;
	v51 =	vsel vm1, v19, v51  }
0x162: {  	v55 =	vsel vm4, $0x4, v55;
	vm2 =	vgt.f32 v60, v51;
	v18 =	vadd.f32 $4.538612960e-01, v18  }
0x163: {  	v49 =	vadd.f32 v56, v49;
	v55 =	vsel vm5, $0x5, v55;
	v58 =	vld.idx.msk [tilespmem:v45+s5+$0x0], $0xffff;
	v51 =	vsel vm2, v60, v51  }
0x164: {  	v55 =	vsel vm1, $0x6, v55;
	vm1 =	vgt.f32 v57, v51;
	v18 =	vmul.f32 v18, v43  }
0x165: {  	v49 =	vadd.f32 v54, v49;
	v54 =	vsel vm2, $0x7, v55;
	v56 =	vld.idx.msk [tilespmem:v53+s5+$0x0], $0xffff;
	v51 =	vsel vm1, v57, v51  }
0x166: {  	v54 =	vsel vm1, $0x8, v54;
	v55 =	vld.idx.msk [tilespmem:v48+s5+$0x0], $0xffff;
	vm1 =	vgt.f32 v42, v51;
	v18 =	vadd.f32 $-7.169882650e-01, v18  }
0x167: {  	v59 =	vadd.s32 v32, v50;
	v49 =	vadd.f32 v52, v49;
	v52 =	vsel vm1, $0x9, v54  }
0x168: {  	v54 =	vld.idx.msk [tilespmem:v40+s13+$0x0], $0xffff;
	v40 =	vor.u32 s22, v0;
	v18 =	vmul.f32 v18, v43;
	v61 =	vadd.s32 $0x10, v52  }
0x169: {  	v17 =	vadd.f32 v17, v49;
	v58 =	vmul.f32 $1.442695020e+00, v58;
	v49 =	vadd.s32 v39, v52;
	v39 =	vmovc v45;
	v62 =	vld.idx.msk [tilespmem:v47+s5+$0x0], $0xffff  }
0x16a: {  	v63 =	vadd.s32 v36, v50;
	v52 =	vadd.s32 v34, v50;
	v45 =	vld.idx.msk [tilespmem:v44+s5+$0x0], $0xffff;
	v18 =	vadd.f32 $1.442395690e+00, v18  }
0x16b: {  	v17 =	vadd.f32 v19, v17;
	v56 =	vmul.f32 $1.442695020e+00, v56;
	v20 =	vld.idx.msk [tilespmem:v46+s5+$0x0], $0xffff;
	(erf) = vpow2.f32 v58  }
0x16c: {  	v41 =	vshrl.u32 v41, $0x17;
	v19 =	vmul.f32 $1.442695020e+00, v55;
	v55 =	vld.idx.msk [tilespmem:v59+s5+$0x0], $0xffff;
	v18 =	vmul.f32 v18, v43  }
0x16d: {  	v41 =	vadd.s32 $0xFFFFFF81, v41;
	v17 =	vadd.f32 v60, v17;
	(erf) = vpow2.f32 v56;
	v43 =	vld.idx.msk [tilespmem:v61+s18+$0x0], $0xffff  }
0x16e: {  	v41 =	vcvt.s32.f32 v41;
	v50 =	vadd.s32 v35, v50;
	v49 =	vld.idx.msk [tilespmem:v49+s5+$0x0], $0xffff;
	v18 =	vadd.f32 $5.059045630e-06, v18  }
0x16f: {  	v17 =	vadd.f32 v57, v17;
	v56 =	vmul.f32 $1.442695020e+00, v62;
	(erf) = vpow2.f32 v19  }
0x170: {  	v54 =	vshll.u32 v54, $0x4;
	v19 =	vmov s22;
	v57 =	vld.idx.msk [tilespmem:v52+s5+$0x0], $0xffff;
	v18 =	vadd.f32 v41, v18  }
0x171: {  	v17 =	vadd.f32 v42, v17;
	v20 =	vmul.f32 $1.442695020e+00, v20;
	v41 =	vld.idx.msk [tilespmem:v53+s12+$0x0], $0xffff;
	(erf) = vpow2.f32 v56  }
0x172: {  	v55 =	vmul.f32 $1.442695020e+00, v55;
	v56 =	vor.u32 $0x9, v54;
	v53 =	vld.idx.msk [tilespmem:v39+s12+$0x0], $0xffff;
	v18 =	vmul.f32 $6.931471820e-01, v18  }
0x173: {  	v58 =	vor.u32 $0x8, v54;
	v17 =	vmul.f32 v17, v43;
	v60 =	vld.idx.msk [tilespmem:v50+s5+$0x0], $0xffff;
	(erf) = vpow2.f32 v20  }
0x174: {  	v42 =	vsel vm1, v42, v51;
	v20 =	vmul.f32 $1.442695020e+00, v45;
	v43 =	vld.idx.msk [tilespmem:v63+s5+$0x0], $0xffff;
	v45 =	vpop (erf);
	v18 =	vsub.f32 v18, v49  }
0x175: {  	vm1 =	vgt.f32 v42, v17;
	v45 =	vadd.f32 $0.0e+00, v45;
	v49 =	vld.idx.msk [tilespmem:v63+s12+$0x0], $0xffff;
	(erf) = vpow2.f32 v55  }
0x176: {  	v42 =	vor.u32 $0x7, v54;
	v17 =	vld.idx.msk [tilespmem:v48+s12+$0x0], $0xffff;
	v48 =	vmul.f32 $1.442695020e+00, v57;
	v51 =	vpop (erf);
	v18 =	vnsel vm1, $0x0, v18  }
0x177: {  	v45 =	vadd.f32 v51, v45;
	v50 =	vld.idx.msk [tilespmem:v50+s12+$0x0], $0xffff;
	(erf) = vpow2.f32 v20;
	v38 =	vadd.f32 v18, v38  }
0x178: {  	v18 =	vadd.f32 v53, v53;
	v51 =	vor.u32 $0x4, v54;
	v20 =	vld.idx.msk [tilespmem:v47+s12+$0x0], $0xffff;
	v47 =	vor.u32 $0x3, v54;
	v53 =	vpop (erf)  }
0x179: {  	v45 =	vadd.f32 v53, v45;
	v52 =	vld.idx.msk [tilespmem:v52+s12+$0x0], $0xffff;
	v53 =	vmul.f32 $1.442695020e+00, v60;
	(erf) = vpow2.f32 v48  }
0x17a: {  	v41 =	vadd.f32 v41, v41;
	v48 =	vor.u32 $0x2, v54;
	v43 =	vmul.f32 $1.442695020e+00, v43;
	v46 =	vld.idx.msk [tilespmem:v46+s12+$0x0], $0xffff;
	v55 =	vpop (erf)  }
0x17b: {  	v18 =	vmul.f32 $1.442695020e+00, v18;
	v45 =	vadd.f32 v55, v45;
	(erf) = vpow2.f32 v53  }
0x17c: {  	v49 =	vadd.f32 v49, v49;
	v17 =	vadd.f32 v17, v17;
	v53 =	vld.idx.msk [tilespmem:v59+s12+$0x0], $0xffff;
	v55 =	vpop (erf);
	(erf) = vpow2.f32 v43  }
0x17d: {  	v41 =	vmul.f32 $1.442695020e+00, v41;
	v43 =	vadd.f32 v55, v45;
	(erf) = vpow2.f32 v18  }
0x17e: {  	v18 =	vor.u32 $0x1, v54;
	v20 =	vadd.f32 v20, v20;
	v45 =	vadd.f32 v50, v50;
	v44 =	vld.idx.msk [tilespmem:v44+s12+$0x0], $0xffff;
	v50 =	vpop (erf)  }
0x17f: {  	v17 =	vmul.f32 $1.442695020e+00, v17;
	v43 =	vadd.f32 v50, v43;
	(erf) = vpow2.f32 v41  }
0x180: {  	v49 =	vmul.f32 $1.442695020e+00, v49;
	v41 =	vadd.f32 v46, v46;
	v46 =	vadd.f32 v52, v52;
	v50 =	vpop (erf)  }
0x181: {  	v20 =	vmul.f32 $1.442695020e+00, v20;
	v52 =	vld.idx.msk [tilespmem:v54+s19+$0x0], $0xffff;
	v43 =	vadd.f32 v50, v43;
	(erf) = vpow2.f32 v17  }
0x182: {  	v21 =	vmul.f32 $1.442695020e+00, v45;
	v17 =	vadd.f32 v53, v53;
	v50 =	vpop (erf);
	(erf) = vpow2.f32 v49  }
0x183: {  	v23 =	vmul.f32 $1.442695020e+00, v41;
	v18 =	vld.idx.msk [tilespmem:v18+s19+$0x0], $0xffff;
	v43 =	vadd.f32 v50, v43;
	(erf) = vpow2.f32 v20  }
0x184: {  	v20 =	vadd.f32 v44, v44;
	v44 =	vmul.f32 $1.442695020e+00, v46;
	(erf) = vpow2.f32 v21;
	v45 =	vpop (erf)  }
0x185: {  	v17 =	vmul.f32 $1.442695020e+00, v17;
	v46 =	vld.idx.msk [tilespmem:v48+s19+$0x0], $0xffff;
	v21 =	vadd.f32 v45, v43;
	(erf) = vpow2.f32 v23;
	v41 =	vpop (erf)  }
0x186: {  	v45 =	vor.u32 $0x5, v54;
	v20 =	vmul.f32 $1.442695020e+00, v20;
	v48 =	vpop (erf);
	(erf) = vpow2.f32 v44  }
0x187: {  	v49 =	vmul.f32 v48, v52;
	v48 =	vld.idx.msk [tilespmem:v47+s19+$0x0], $0xffff;
	v41 =	vadd.f32 v41, v21;
	(erf) = vpow2.f32 v17  }
0x188: {  	v50 =	vmul.u32 $0xA, v19;
	v17 =	vor.u32 $0x6, v54;
	v19 =	vld.idx.msk [tilespmem:v56+s19+$0x0], $0xffff;
	v43 =	vpop (erf);
	(erf) = vpow2.f32 v20  }
0x189: {  	vm1 =	vgt.f32 v49, $-3.399999950e+38;
	v55 =	vmul.f32 v43, v18;
	v18 =	vld.idx.msk [tilespmem:v51+s19+$0x0], $0xffff;
	v23 =	vand.u32 $0x7FFFFF, v41  }
0x18a: {  	v44 =	vadd.s32 v33, v50;
	v52 =	vnsel vm1, $0xFF7FC99E, v49;
	v57 =	vld.idx.msk [tilespmem:v58+s19+$0x0], $0xffff;
	v21 =	vor.u32 $0x3F800000, v23;
	v43 =	vpop (erf)  }
0x18b: {  	vm1 =	vgt.f32 v55, v52;
	v56 =	vmul.f32 v43, v46;
	v51 =	vld.idx.msk [tilespmem:v45+s19+$0x0], $0xffff;
	v43 =	vadd.f32 $-1.000000000e+00, v21;
	v20 =	vpop (erf)  }
.Ltmp0:
0x18c: {  	v47 =	vadd.s32 v30, v50;
	v46 =	vadd.s32 v31, v50;
	v21 =	vsel vm1, v55, v52;
	v60 =	vld.idx.msk [tilespmem:v42+s19+$0x0], $0xffff;
	v42 =	vpop (erf);
	(pc) =	sbr.rel @p0 .LBB2_2-.Ltmp0, $4  }
0x18d: {  	vm2 =	vgt.f32 v56, v21;
	v54 =	vmul.f32 v42, v48;
	v59 =	vld.idx.msk [tilespmem:v17+s19+$0x0], $0xffff;
	v23 =	vmul.f32 $-2.482818630e-02, v43;
	v58 =	vpop (erf)  }
0x18e: {  	v53 =	vadd.s32 v28, v50;
	v48 =	vadd.s32 v29, v50;
	v42 =	vsel vm2, v56, v21;
	v45 =	vpop (erf)  }
0x18f: {  	vm3 =	vgt.f32 v54, v42;
	v52 =	vmul.f32 v45, v18;
	v63 =	vadd.f32 $1.179129630e-01, v23;
	v62 =	vpop (erf)  }
0x190: {  	s22 =	sadd.s32 $0x10, s22;
	v45 =	vadd.s32 v22, v50;
	v61 =	vsel vm3, v54, v42;
	v42 =	vmul.f32 v20, v19;
	v17 =	vpop (erf)  }
0x191: {  	_ =	sdelay $0x3  }
0x192: {  	v18 =	vld.idx.msk [tilespmem:v45+s5+$0x0], $0xffff  }
0x193: {  	v19 =	vld.idx.msk [tilespmem:v53+s5+$0x0], $0xffff  }
0x194: {  	v20 =	vld.idx.msk [tilespmem:v48+s5+$0x0], $0xffff;
	_ =	sdelay $0x1  }
0x195: {  	v21 =	vadd.s32 v32, v50;
	v23 =	vld.idx.msk [tilespmem:v47+s5+$0x0], $0xffff;
	v17 =	vmul.f32 v17, v51  }
0x196: {  	v51 =	vmul.f32 v62, v60;
	v40 =	vld.idx.msk [tilespmem:v40+s13+$0x0], $0xffff;
	v18 =	vmul.f32 $1.442695020e+00, v18  }
0x197: {  	v60 =	vmul.f32 v63, v43;
	v53 =	vld.idx.msk [tilespmem:v53+s12+$0x0], $0xffff;
	v19 =	vmul.f32 $1.442695020e+00, v19  }
0x198: {  	v49 =	vadd.f32 $0.0e+00, v49;
	v20 =	vmul.f32 $1.442695020e+00, v20;
	(erf) = vpow2.f32 v18;
	v18 =	vld.idx.msk [tilespmem:v46+s5+$0x0], $0xffff  }
0x199: {  	vm4 =	vgt.f32 v52, v61;
	v48 =	vld.idx.msk [tilespmem:v48+s12+$0x0], $0xffff;
	v41 =	vshrl.u32 v41, $0x17;
	(erf) = vpow2.f32 v19  }
0x19a: {  	v55 =	vadd.f32 v55, v49;
	v49 =	vmul.f32 v58, v57;
	(erf) = vpow2.f32 v20;
	v20 =	vld.idx.msk [tilespmem:v21+s5+$0x0], $0xffff  }
0x19b: {  	v47 =	vld.idx.msk [tilespmem:v47+s12+$0x0], $0xffff;
	v58 =	vsel vm4, v52, v61;
	v61 =	vsel vm1, $0x1, v37;
	v60 =	vadd.f32 $-2.723621730e-01, v60  }
0x19c: {  	vm1 =	vgt.f32 v17, v58;
	v55 =	vadd.f32 v56, v55;
	v23 =	vmul.f32 $1.442695020e+00, v23  }
0x19d: {  	v62 =	vld.idx.msk [tilespmem:v44+s5+$0x0], $0xffff;
	v56 =	vadd.s32 v35, v50;
	v19 =	vadd.s32 v34, v50;
	v18 =	vmul.f32 $1.442695020e+00, v18  }
0x19e: {  	v58 =	vsel vm1, v17, v58;
	v60 =	vmul.f32 v60, v43;
	v53 =	vadd.f32 v53, v53  }
0x19f: {  	v40 =	vshll.u32 v40, $0x4;
	v48 =	vadd.f32 v48, v48;
	v20 =	vmul.f32 $1.442695020e+00, v20  }
0x1a0: {  	v47 =	vadd.f32 v47, v47;
	v53 =	vmul.f32 $1.442695020e+00, v53;
	(erf) = vpow2.f32 v23;
	v23 =	vpop (erf)  }
0x1a1: {  	v50 =	vadd.s32 v36, v50;
	v21 =	vld.idx.msk [tilespmem:v21+s12+$0x0], $0xffff;
	v23 =	vmul.f32 v23, v59;
	(erf) = vpow2.f32 v18;
	v18 =	vpop (erf)  }
0x1a2: {  	v59 =	vsel vm2, $0x2, v61;
	v61 =	vmul.f32 $1.442695020e+00, v62;
	v57 =	vld.idx.msk [tilespmem:v19+s5+$0x0], $0xffff;
	v18 =	vadd.f32 $0.0e+00, v18  }
0x1a3: {  	v54 =	vadd.f32 v54, v55;
	v48 =	vmul.f32 $1.442695020e+00, v48;
	v55 =	vld.idx.msk [tilespmem:v56+s5+$0x0], $0xffff;
	(erf) = vpow2.f32 v20;
	v20 =	vpop (erf)  }
0x1a4: {  	v47 =	vmul.f32 $1.442695020e+00, v47;
	v59 =	vsel vm3, $0x3, v59;
	v18 =	vadd.f32 v20, v18;
	v20 =	vld.idx.msk [tilespmem:v45+s12+$0x0], $0xffff  }
0x1a5: {  	vm2 =	vgt.f32 v23, v58;
	v63 =	vsel vm4, $0x4, v59;
	v59 =	vadd.f32 $4.538612960e-01, v60;
	v19 =	vld.idx.msk [tilespmem:v19+s12+$0x0], $0xffff  }
0x1a6: {  	v58 =	vsel vm2, v23, v58;
	v21 =	vadd.f32 v21, v21;
	(erf) = vpow2.f32 v61;
	v61 =	vpop (erf)  }
0x1a7: {  	vm3 =	vgt.f32 v51, v58;
	v57 =	vmul.f32 $1.442695020e+00, v57;
	v18 =	vadd.f32 v61, v18;
	v61 =	vld.idx.msk [tilespmem:v50+s5+$0x0], $0xffff  }
0x1a8: {  	v55 =	vmul.f32 $1.442695020e+00, v55;
	v59 =	vmul.f32 v59, v43;
	v58 =	vsel vm3, v51, v58  }
0x1a9: {  	v21 =	vmul.f32 $1.442695020e+00, v21;
	(erf) = vpow2.f32 v57;
	v50 =	vld.idx.msk [tilespmem:v50+s12+$0x0], $0xffff;
	v20 =	vadd.f32 v20, v20  }
0x1aa: {  	v59 =	vadd.f32 $-7.169882650e-01, v59;
	v19 =	vadd.f32 v19, v19;
	v62 =	vpop (erf);
	(erf) = vpow2.f32 v55;
	v55 =	vld.idx.msk [tilespmem:v56+s12+$0x0], $0xffff  }
0x1ab: {  	v57 =	vsel vm1, $0x5, v63;
	v18 =	vadd.f32 v62, v18;
	v20 =	vmul.f32 $1.442695020e+00, v20  }
0x1ac: {  	vm1 =	vgt.f32 v49, v58;
	v57 =	vsel vm2, $0x6, v57;
	v56 =	vpop (erf);
	v60 =	vmul.f32 $1.442695020e+00, v61;
	v61 =	vld.idx.msk [tilespmem:v46+s12+$0x0], $0xffff  }
0x1ad: {  	v19 =	vmul.f32 $1.442695020e+00, v19;
	v57 =	vsel vm3, $0x7, v57;
	v18 =	vadd.f32 v56, v18  }
0x1ae: {  	v56 =	vor.u32 $0x2, v40;
	v50 =	vadd.f32 v50, v50;
	(erf) = vpow2.f32 v60  }
0x1af: {  	v55 =	vadd.f32 v55, v55;
	v60 =	vor.u32 $0x3, v40;
	(erf) = vpow2.f32 v20;
	v20 =	vpop (erf)  }
0x1b0: {  	v50 =	vmul.f32 $1.442695020e+00, v50;
	(erf) = vpow2.f32 v53;
	v18 =	vadd.f32 v20, v18  }
0x1b1: {  	v62 =	vld.idx.msk [tilespmem:v44+s12+$0x0], $0xffff;
	v20 =	vor.u32 $0x1, v40;
	v46 =	vadd.f32 v61, v61;
	(erf) = vpow2.f32 v48;
	v53 =	vpop (erf)  }
0x1b2: {  	v63 =	vmul.f32 $1.442695020e+00, v55;
	(erf) = vpow2.f32 v50;
	v18 =	vadd.f32 v53, v18  }
0x1b3: {  	v48 =	vsel vm1, $0x8, v57;
	v55 =	vpop (erf);
	v46 =	vmul.f32 $1.442695020e+00, v46;
	(erf) = vpow2.f32 v47  }
0x1b4: {  	v50 =	vld.idx.msk [tilespmem:v40+s19+$0x0], $0xffff;
	v47 =	vor.u32 $0x4, v40;
	(erf) = vpow2.f32 v63;
	v18 =	vadd.f32 v55, v18  }
0x1b5: {  	v61 =	vpop (erf);
	v63 =	vadd.f32 v52, v54;
	v54 =	vld.idx.msk [tilespmem:v56+s19+$0x0], $0xffff;
	v56 =	vor.u32 $0x7, v40;
	(erf) = vpow2.f32 v46  }
0x1b6: {  	(erf) = vpow2.f32 v19;
	v19 =	vld.idx.msk [tilespmem:v20+s19+$0x0], $0xffff;
	v20 =	vadd.f32 v62, v62;
	v18 =	vadd.f32 v61, v18  }
0x1b7: {  	v46 =	vor.u32 $0x9, v40;
	v62 =	vor.u32 $0x5, v40;
	v17 =	vadd.f32 v17, v63;
	v44 =	vpop (erf)  }
0x1b8: {  	(erf) = vpow2.f32 v21;
	v21 =	vpop (erf);
	v20 =	vmul.f32 $1.442695020e+00, v20;
	v18 =	vadd.f32 v44, v18  }
0x1b9: {  	v57 =	vld.idx.msk [tilespmem:v60+s19+$0x0], $0xffff;
	v52 =	vor.u32 $0x8, v40;
	v40 =	vor.u32 $0x6, v40;
	v21 =	vmul.f32 v21, v50  }
0x1ba: {  	v17 =	vadd.f32 v23, v17;
	v61 =	vpop (erf);
	(erf) = vpow2.f32 v20;
	v23 =	vand.u32 $0x7FFFFF, v18  }
0x1bb: {  	v44 =	vld.idx.msk [tilespmem:v47+s19+$0x0], $0xffff;
	v47 =	vpop (erf);
	vm2 =	vgt.f32 v21, $-3.399999950e+38;
	v19 =	vmul.f32 v61, v19;
	v23 =	vor.u32 $0x3F800000, v23  }
0x1bc: {  	v55 =	vsel vm1, v49, v58;
	v46 =	vld.idx.msk [tilespmem:v46+s19+$0x0], $0xffff;
	v20 =	vpop (erf);
	v60 =	vnsel vm2, $0xFF7FC99E, v21;
	v23 =	vadd.f32 $-1.000000000e+00, v23  }
0x1bd: {  	vm1 =	vgt.f32 v42, v55;
	v50 =	vld.idx.msk [tilespmem:v62+s19+$0x0], $0xffff;
	v47 =	vmul.f32 v47, v54;
	v53 =	vpop (erf);
	vm2 =	vgt.f32 v19, v60  }
0x1be: {  	v58 =	vpop (erf);
	v53 =	vmul.f32 v53, v57;
	v57 =	vsel vm2, v19, v60;
	v60 =	vmul.f32 $-2.482818630e-02, v23  }
0x1bf: {  	v59 =	vmul.f32 v59, v43;
	v48 =	vsel vm1, $0x9, v48;
	v54 =	vld.idx.msk [tilespmem:v56+s19+$0x0], $0xffff;
	v62 =	vpop (erf);
	vm3 =	vgt.f32 v47, v57  }
0x1c0: {  	v40 =	vld.idx.msk [tilespmem:v40+s19+$0x0], $0xffff;
	v44 =	vmul.f32 v62, v44;
	v56 =	vpop (erf);
	v61 =	vsel vm3, v47, v57;
	v62 =	vadd.f32 $1.179129630e-01, v60  }
0x1c1: {  	v39 =	vadd.s32 v39, v48;
	v20 =	vmul.f32 v20, v46;
	v63 =	vpop (erf);
	vm14 =	vgt.f32 v53, v61  }
0x1c2: {  	v52 =	vld.idx.msk [tilespmem:v52+s19+$0x0], $0xffff;
	v46 =	vmul.f32 v63, v50;
	v50 =	vsel vm14, v53, v61;
	v63 =	vmul.f32 v62, v23  }
0x1c3: {  	v48 =	vadd.s32 $0x10, v48;
	v21 =	vadd.f32 $0.0e+00, v21;
	vm5 =	vgt.f32 v44, v50  }
0x1c4: {  	v54 =	vmul.f32 v56, v54;
	v60 =	vpop (erf);
	v50 =	vsel vm5, v44, v50;
	v56 =	vadd.f32 $-2.723621730e-01, v63  }
0x1c5: {  	v61 =	vsel vm2, $0x1, v37;
	v40 =	vmul.f32 v60, v40;
	vm2 =	vgt.f32 v46, v50  }
0x1c6: {  	v19 =	vadd.f32 v19, v21;
	v50 =	vsel vm2, v46, v50;
	v56 =	vmul.f32 v56, v23  }
0x1c7: {  	v52 =	vmul.f32 v58, v52;
	v57 =	vsel vm3, $0x2, v61;
	vm3 =	vgt.f32 v40, v50  }
0x1c8: {  	v21 =	vsel vm14, $0x3, v57;
	v50 =	vsel vm3, v40, v50;
	v56 =	vadd.f32 $4.538612960e-01, v56  }
0x1c9: {  	v19 =	vadd.f32 v47, v19;
	v21 =	vsel vm5, $0x4, v21;
	vm15 =	vgt.f32 v54, v50  }
0x1ca: {  	v21 =	vsel vm2, $0x5, v21;
	v63 =	vsel vm15, v54, v50;
	v57 =	vmul.f32 v56, v23  }
0x1cb: {  	v19 =	vadd.f32 v53, v19;
	v21 =	vsel vm3, $0x6, v21;
	vm2 =	vgt.f32 v52, v63  }
0x1cc: {  	v21 =	vsel vm15, $0x7, v21;
	v47 =	vsel vm2, v52, v63;
	v50 =	vadd.f32 $-7.169882650e-01, v57  }
0x1cd: {  	v19 =	vadd.f32 v44, v19;
	v21 =	vsel vm2, $0x8, v21;
	vm2 =	vgt.f32 v20, v47  }
0x1ce: {  	v62 =	vadd.f32 $1.442395690e+00, v59;
	v21 =	vsel vm2, $0x9, v21;
	v59 =	vmul.f32 v50, v23  }
0x1cf: {  	v41 =	vadd.s32 $0xFFFFFF81, v41;
	v19 =	vadd.f32 v46, v19;
	v61 =	vadd.s32 $0x10, v21  }
0x1d0: {  	v60 =	vmul.f32 v62, v43;
	v21 =	vadd.s32 v45, v21;
	v44 =	vadd.f32 $1.442395690e+00, v59  }
0x1d1: {  	v41 =	vcvt.s32.f32 v41;
	v17 =	vadd.f32 v51, v17;
	v19 =	vadd.f32 v40, v19  }
0x1d2: {  	v18 =	vshrl.u32 v18, $0x17;
	v62 =	vld.idx.msk [tilespmem:v48+s18+$0x0], $0xffff;
	v43 =	vadd.f32 $5.059045630e-06, v60;
	v23 =	vmul.f32 v44, v23  }
0x1d3: {  	v17 =	vadd.f32 v49, v17;
	v18 =	vadd.s32 $0xFFFFFF81, v18;
	v39 =	vld.idx.msk [tilespmem:v39+s5+$0x0], $0xffff;
	v19 =	vadd.f32 v54, v19  }
0x1d4: {  	v18 =	vcvt.s32.f32 v18;
	v41 =	vadd.f32 v41, v43;
	v63 =	vld.idx.msk [tilespmem:v61+s18+$0x0], $0xffff;
	v23 =	vadd.f32 $5.059045630e-06, v23  }
0x1d5: {  	v17 =	vadd.f32 v42, v17;
	v19 =	vadd.f32 v52, v19;
	v21 =	vld.idx.msk [tilespmem:v21+s5+$0x0], $0xffff  }
0x1d6: {  	v41 =	vmul.f32 $6.931471820e-01, v41;
	v18 =	vadd.f32 v18, v23  }
0x1d7: {  	v17 =	vmul.f32 v17, v62;
	v19 =	vadd.f32 v20, v19  }
0x1d8: {  	v39 =	vsub.f32 v41, v39;
	v23 =	vsel vm1, v42, v55;
	v18 =	vmul.f32 $6.931471820e-01, v18  }
0x1d9: {  	vm1 =	vgt.f32 v23, v17;
	v17 =	vmul.f32 v19, v63  }
0x1da: {  	v20 =	vsel vm2, v20, v47;
	v19 =	vnsel vm1, $0x0, v39;
	v18 =	vsub.f32 v18, v21  }
0x1db: {  	v19 =	vadd.f32 v19, v38;
	vm1 =	vgt.f32 v20, v17  }
0x1dc: {  	v17 =	vnsel vm1, $0x0, v18  }
0x1dd: {  	v17 =	vadd.f32 v17, v19;
	_ =	sdelay $0x1  }
0x1de: {  	s21 =	sadd.s32 $0x1, s21;
	v17 =	vmul.f32 $6.103515630e-05, v17  }
0x1df: {  	p0 =	sne.s32 s21, s10  }
.Ltmp1:
0x1e0: {  	[tilespmem:$0x2F00] =	vst v17;
	(pc) =	sbr.rel @p0 .LBB2_1-.Ltmp1, $4  }
0x1e1: {  	[hbm4b:s9+s5] =	stream.linear.scatter [tilespmem:s20], [sflag:$0x1], $0x80, $0x38;
	[tilespmem:$0x2F80] =	vst v63  }
0x1e2: {  	_ =	swait.ge [sflag:s11], $0x80  }
0x1e3: {  	[sflag:s11] =	ssyncset.done $0x0  }
0x1e4: {  	[sflag:s11] =	ssyncadd.s32 $0xFFFFFF80  }
0x1e5: {  	_ =	sfence.sel $0x180000  }
0x1e6: {  	[bflag:$0x0] =	sbarrier.arrive $0xFFFF  }
0x1e7: {  	p0 =	sne.s32 s1, $0x0;
	_ =	strace $0x90000047  }
0x1e8: {  	s0 =	sadd.s32 @!p0 $0x100000, s3;
	[bflag:$0x2] =	sbarrier.arrive $0xFFFF  }
0x1e9: {  	[sflag:s0] =	ssyncadd.tile.s32 @!p0 $0x1;
	_ =	shalt  }
.Lfunc_end2:
_tile_overlayer_lowered:
.L_overlay_start_2:
0x1ea: {  	(tag) =	ssettag $0x2  }
0x1eb: {  	s0 =	rddreg [dreg:$0x0];
	s2 =	stileid.u32  }
0x1ec: {  	s1 =	rddreg [dreg:$0x1];
	p0 =	sne.s32 s2, $0x0  }
0x1ed: {  	s3 =	rddreg [dreg:$0x2];
	[bflag:$0x3] =	sbarrier.arrive $0xFFFF;
	s2 =	simm.s32 @!p0 $0x1C01  }
0x1ee: {  	[timem:s3], [sflag:s2] =	dma.local @!p0 [hbm:s0], s1  }
0x1ef: {  	s0 =	simm.s32 @!p0 $0x1  }
0x1f0: {  	_ =	swait.ge @!p0 [sflag:s0], s1  }
0x1f1: {  	s1 =	ssub.s32 @!p0 $0x0, s1;
	[sflag:s0] =	ssyncset.done @!p0 $0x0  }
0x1f2: {  	[sflag:s0] =	ssyncadd.s32 @!p0 s1  }
0x1f3: {  	[bflag:$0x3] =	sbarrier.arrive $0xFFFF  }
0x1f4: {  	_ =	shalt  }

</sc_bundles>
